<compile_context>
chip_gen: v7x
topology: tpu7x:2x2x1
jax: 0.10.2.dev20260603
libtpu: 0.0.44.dev20260713+nightly
codegen_flags: <defaults>
</compile_context>

<pallas_src>
import functools

import jax
import jax.numpy as jnp
from jax import lax
from jax.experimental import pallas as pl
from jax.experimental.pallas import tpu as pltpu
from jax.experimental.pallas import tpu_sc as plsc


def _mean_body(x_ref, out_ref, xbf_ref, *, T):
    x = x_ref[0]
    out_ref[0] = jnp.sum(x, axis=1) * (1.0 / T)
    xbf_ref[0] = x.astype(jnp.bfloat16)


def _select_body(s_ref, vals_ref, idx_ref, *, K):
    s = s_ref[...]
    B, V = s.shape

    su = s[:, :, None]
    sv = s[:, None, :]
    u_iota = lax.broadcasted_iota(jnp.int32, (B, V, V), 1)
    v_iota = lax.broadcasted_iota(jnp.int32, (B, V, V), 2)
    beats = (su > sv) | ((su == sv) & (u_iota < v_iota))
    rank = jnp.sum(beats.astype(jnp.float32), axis=1)
    keep = rank < K

    rank_i = rank.astype(jnp.int32)
    r_iota = lax.broadcasted_iota(jnp.int32, (B, V, K), 2)
    hit = rank_i[:, :, None] == r_iota
    vals_ref[...] = jnp.sum(jnp.where(hit, s[:, :, None], 0.0), axis=1)

    tri = (lax.broadcasted_iota(jnp.int32, (V, V), 0)
           <= lax.broadcasted_iota(jnp.int32, (V, V), 1)).astype(jnp.float32)
    keep_f = keep.astype(jnp.float32)
    slot = jax.lax.dot_general(
        keep_f, tri, (((1,), (0,)), ((), ())),
        preferred_element_type=jnp.float32).astype(jnp.int32) - 1
    k_iota = lax.broadcasted_iota(jnp.int32, (B, V, K), 2)
    sel = (rank_i[:, :, None] < K) & (slot[:, :, None] == k_iota)
    v_in_iota = lax.broadcasted_iota(jnp.int32, (B, V, K), 1)
    idx_ref[...] = jnp.sum(jnp.where(sel, v_in_iota, 0), axis=1)


def _make_sc_apool(B, V, K):
    NW = 32
    WPB = NW // B
    RPW = K // WPB
    NJ = K // 16
    mesh = plsc.VectorSubcoreMesh(core_axis_name="c", subcore_axis_name="s")

    import functools as _ft

    @_ft.partial(
        pl.kernel, mesh=mesh,
        compiler_params=pltpu.CompilerParams(needs_layout_passes=False),
        out_type=jax.ShapeDtypeStruct((B * K * K,), jnp.float32),
        scratch_types=[
            pltpu.VMEM((K,), jnp.int32),
            pltpu.VMEM((V * V,), jnp.float32),
            pltpu.VMEM((RPW * K,), jnp.float32),
        ],
    )
    def sc_apool(a_hbm, idx_hbm, out_hbm, idx_v, a_v, out_v):
        wid = lax.axis_index("s") * 2 + lax.axis_index("c")
        bi = wid // WPB
        k0 = (wid % WPB) * RPW

        pltpu.sync_copy(idx_hbm.at[bi], idx_v)
        pltpu.sync_copy(a_hbm.at[bi], a_v)
        cols = [idx_v[pl.ds(16 * j, 16)] for j in range(NJ)]

        for m in range(RPW):
            sp = jnp.zeros((16,), jnp.int32) + (k0 + m)
            rowv = plsc.load_gather(idx_v, [sp]) * V
            for j in range(NJ):
                g = plsc.load_gather(a_v, [rowv + cols[j]])
                out_v[pl.ds(m * K + 16 * j, 16)] = g
        pltpu.sync_copy(out_v, out_hbm.at[pl.ds((bi * K + k0) * K, RPW * K)])

    return sc_apool


def _make_sc_feature(B, CT, V, K):
    NW = 32
    WPB = NW // B
    ROWS_W = CT // WPB
    R = 128
    NT = ROWS_W // R
    NJ = K // 16
    mesh = plsc.VectorSubcoreMesh(core_axis_name="c", subcore_axis_name="s")

    import functools as _ft

    @_ft.partial(
        pl.kernel, mesh=mesh,
        compiler_params=pltpu.CompilerParams(needs_layout_passes=False),
        out_type=jax.ShapeDtypeStruct((B * CT * K,), jnp.float32),
        scratch_types=[
            pltpu.VMEM((K,), jnp.int32),
            pltpu.VMEM((K,), jnp.float32),
            pltpu.VMEM((R * V,), jnp.float32),
            pltpu.VMEM((R * V,), jnp.float32),
            pltpu.VMEM((R * K,), jnp.float32),
            pltpu.VMEM((R * K,), jnp.float32),
            pltpu.SemaphoreType.DMA,
            pltpu.SemaphoreType.DMA,
            pltpu.SemaphoreType.DMA,
            pltpu.SemaphoreType.DMA,
        ],
    )
    def sc_feature(x_hbm, idx_hbm, vals_hbm, out_hbm,
                   idx_v, vals_v, in0, in1, ou0, ou1, si0, si1, so0, so1):
        wid = lax.axis_index("s") * 2 + lax.axis_index("c")
        bi = wid // WPB
        row0 = (wid % WPB) * ROWS_W

        pltpu.sync_copy(idx_hbm.at[bi], idx_v)
        pltpu.sync_copy(vals_hbm.at[bi], vals_v)
        cols = [idx_v[pl.ds(16 * j, 16)] for j in range(NJ)]
        valv = [vals_v[pl.ds(16 * j, 16)] for j in range(NJ)]

        inbufs, in_sems = [in0, in1], [si0, si1]
        oubufs, out_sems = [ou0, ou1], [so0, so1]
        in_cp = {}
        out_cp = {}

        def start_in(t):
            in_cp[t] = pltpu.async_copy(
                x_hbm.at[bi, pl.ds((row0 + t * R) * V, R * V)],
                inbufs[t % 2], in_sems[t % 2])

        def start_out(t):
            out_cp[t] = pltpu.async_copy(
                oubufs[t % 2],
                out_hbm.at[pl.ds((bi * CT + row0 + t * R) * K, R * K)],
                out_sems[t % 2])

        start_in(0)
        for t in range(NT):
            if t + 1 < NT:
                start_in(t + 1)
            in_cp[t].wait()
            if t >= 2:
                out_cp[t - 2].wait()
            inb, oub = inbufs[t % 2], oubufs[t % 2]

            def row_body(r4, _):
                r = r4 * 4
                rv = jnp.zeros((16,), jnp.int32) + r * V
                for m in range(4):
                    rvm = rv + m * V
                    for j in range(NJ):
                        g = plsc.load_gather(inb, [rvm + cols[j]])
                        oub[pl.ds((r + m) * K + 16 * j, 16)] = g * valv[j]
                return 0

            lax.fori_loop(0, R // 4, row_body, 0)
            start_out(t)
        out_cp[NT - 2].wait()
        out_cp[NT - 1].wait()

    return sc_feature


def _feature_body(idx_ref, vals_ref, x_ref, out_ref, *, K):
    x = x_ref[0]
    V = x.shape[-1]
    idx = idx_ref[0, 0]
    vals = vals_ref[0, 0]
    onehot = (lax.broadcasted_iota(jnp.int32, (V, K), 0) == idx[None, :])
    S = jnp.where(onehot, vals[None, :], 0.0).astype(jnp.bfloat16)
    out_ref[0] = jax.lax.dot_general(
        x, S, (((1,), (0,)), ((), ())),
        preferred_element_type=jnp.float32)


def kernel(X, A, W, b):
    B, C, T, V = X.shape
    K = max(2, V // 2)
    CT = C * T
    RB = 1024
    NCT = CT // RB

    X2 = X.reshape(B, CT, V)
    CB = 32
    NC = C // CB

    X_avg, Xbf = pl.pallas_call(
        functools.partial(_mean_body, T=T),
        grid=(B, NC),
        in_specs=[
            pl.BlockSpec((1, CB, T, V), lambda i, j: (i, j, 0, 0)),
        ],
        out_specs=[
            pl.BlockSpec((1, CB, V), lambda i, j: (i, j, 0)),
            pl.BlockSpec((1, CB, T, V), lambda i, j: (i, j, 0, 0)),
        ],
        out_shape=[
            jax.ShapeDtypeStruct((B, C, V), jnp.float32),
            jax.ShapeDtypeStruct((B, C, T, V), jnp.bfloat16),
        ],
    )(X)
    Z = jnp.transpose(X_avg, (0, 2, 1))
    scores = jax.nn.sigmoid(jnp.squeeze(Z @ W.T + b))

    vals, idx = pl.pallas_call(
        functools.partial(_select_body, K=K),
        out_shape=[
            jax.ShapeDtypeStruct((B, K), jnp.float32),
            jax.ShapeDtypeStruct((B, K), jnp.int32),
        ],
    )(scores)

    a_pooled = _make_sc_apool(B, V, K)(
        A.reshape(B, V * V), idx).reshape(B, K, K)

    idx3 = idx.reshape(B, 1, K)
    vals3 = vals.reshape(B, 1, K)
    feats = pl.pallas_call(
        functools.partial(_feature_body, K=K),
        grid=(B, NCT),
        in_specs=[
            pl.BlockSpec((1, 1, K), lambda i, j: (i, 0, 0)),
            pl.BlockSpec((1, 1, K), lambda i, j: (i, 0, 0)),
            pl.BlockSpec((1, RB, V), lambda i, j: (i, j, 0)),
        ],
        out_specs=pl.BlockSpec((1, RB, K), lambda i, j: (i, j, 0)),
        out_shape=jax.ShapeDtypeStruct((B, CT, K), jnp.float32),
    )(idx3, vals3, Xbf.reshape(B, CT, V))

    scaled_features = feats.reshape(B, C, T, K)
    return (a_pooled, scaled_features, idx)

# --- scband reference (transcript-rebuilt; emitter-appended) ---
"""Pipeline reference for scband-top-kpool-20847771254945 (READ-ONLY COPY).

The authoritative reference and input builder live on the scoring server;
editing this copy changes nothing except your own understanding.
"""

import jax, jax.numpy as jnp
import numpy as np

def setup_inputs(seed: int = 0) -> dict:
    key = jax.random.key(seed)
    k1, k2, k3, k4 = jax.random.split(key, 4)
    B, C, T, V = 4, 256, 64, 256
    X = jax.random.normal(k1, (B, C, T, V), dtype=jnp.float32)
    A = jax.random.uniform(k2, (B, V, V), dtype=jnp.float32)
    W = jax.random.normal(k3, (1, C), dtype=jnp.float32) * (1.0 / np.sqrt(C))
    b = jax.random.normal(k4, (1,), dtype=jnp.float32) * 0.01
    return {"X": X, "A": A, "W": W, "b": b}

def reference(X, A, W, b):
    k = 0.5
    B, C, T, V = X.shape
    K = max(2, int(np.floor(k * V)))
    # score projection: mean over time, permute, linear C->1, sigmoid
    X_avg = jnp.mean(X, axis=2)               # [B, C, V]
    Z = jnp.transpose(X_avg, (0, 2, 1))       # [B, V, C]
    score_logits = jnp.squeeze(Z @ W.T + b)   # [B, V]
    scores = jax.nn.sigmoid(score_logits)
    # top-k (values stay in descending order; idx re-sorted ascending, matching torch code)
    values, idx = jax.lax.top_k(scores, K)    # [B, K] each
    idx = jnp.sort(idx, axis=-1)
    # gather features along node dim and scale by (descending-ordered) values
    idx_expanded = jnp.broadcast_to(idx[:, None, None, :], (B, C, T, K))
    gathered_features = jnp.take_along_axis(X, idx_expanded, axis=-1)   # [B, C, T, K]
    vals_expanded = jnp.broadcast_to(values[:, None, None, :], (B, C, T, K))
    scaled_features = gathered_features * vals_expanded
    # pool adjacency rows then columns
    idx_rows = jnp.broadcast_to(idx[:, :, None], (B, K, V))
    A_rows = jnp.take_along_axis(A, idx_rows, axis=1)                   # [B, K, V]
    idx_cols = jnp.broadcast_to(idx[:, None, :], (B, K, K))
    A_pooled = jnp.take_along_axis(A_rows, idx_cols, axis=2)            # [B, K, K]
    return (A_pooled, scaled_features, idx)

if __name__ == "__main__":
    import jax
    _d = setup_inputs()
    print(jax.jit(kernel)(*tuple(_d.values())))

</pallas_src>

<mosaic_0001>
#map = affine_map<(d0, d1) -> (0, 0)>
#map1 = affine_map<(d0, d1) -> (0)>
module attributes {stable_mosaic.version = 14 : i64} {
  func.func @sc_apool(%arg0: i32, %arg1: i32, %arg2: memref<4x65536xf32, #tpu.memory_space<hbm>>, %arg3: memref<4x128xi32, #tpu.memory_space<hbm>>, %arg4: memref<65536xf32, #tpu.memory_space<hbm>>, %arg5: memref<128xi32, #tpu.memory_space<vmem>>, %arg6: memref<65536xf32, #tpu.memory_space<vmem>>, %arg7: memref<2048xf32, #tpu.memory_space<vmem>>) attributes {dimension_semantics = [#tpu.dimension_semantics<core_parallel>, #tpu.dimension_semantics<subcore_parallel>], iteration_bounds = array<i64: 2, 16>, scalar_prefetch = 0 : i64, scratch_operands = 3 : i64, tpu.core_type = #tpu.core_type<sc_vector_subcore>, window_params = [{transform_indices = #map}, {transform_indices = #map}, {transform_indices = #map1}]} {
    %mul3A = arith.constant 2 : i32
    %mul3A_0 = arith.muli %arg1, %mul3A : i32
    %add3A = arith.addi %mul3A_0, %arg0 : i32
    %jit3A = arith.constant 8 : i32
    %div3A = arith.divsi %add3A, %jit3A : i32
    %sign3A = arith.constant 0 : i32
    %sign3A_1 = arith.cmpi sgt, %add3A, %sign3A : i32
    %sign3A_2 = arith.extui %sign3A_1 : i1 to i32
    %sign3A_3 = arith.constant 0 : i32
    %sign3A_4 = arith.cmpi slt, %add3A, %sign3A_3 : i32
    %sign3A_5 = arith.extui %sign3A_4 : i1 to i32
    %sign3A_6 = arith.subi %sign3A_2, %sign3A_5 : i32
    %sign3A_7 = arith.constant 0 : i32
    %sign3A_8 = arith.cmpi sgt, %jit3A, %sign3A_7 : i32
    %sign3A_9 = arith.extui %sign3A_8 : i1 to i32
    %sign3A_10 = arith.constant 0 : i32
    %sign3A_11 = arith.cmpi slt, %jit3A, %sign3A_10 : i32
    %sign3A_12 = arith.extui %sign3A_11 : i1 to i32
    %sign3A_13 = arith.subi %sign3A_9, %sign3A_12 : i32
    %ne3A = arith.cmpi ne, %sign3A_6, %sign3A_13 : i32
    %rem3A = arith.remsi %add3A, %jit3A : i32
    %ne3A_14 = arith.constant 0 : i32
    %ne3A_15 = arith.cmpi ne, %rem3A, %ne3A_14 : i32
    %and3A = arith.andi %ne3A, %ne3A_15 : i1
    %sub3A = arith.constant 1 : i32
    %sub3A_16 = arith.subi %div3A, %sub3A : i32
    %select_n3A = arith.select %and3A, %sub3A_16, %div3A : i32
    %jit3A_17 = arith.constant 8 : i32
    %eq3A = arith.constant 0 : i32
    %eq3A_18 = arith.cmpi eq, %jit3A_17, %eq3A : i32
    %jit3A_19 = arith.constant 1 : i32
    %select_n3A_20 = arith.select %eq3A_18, %jit3A_19, %jit3A_17 : i32
    %rem3A_21 = arith.remsi %add3A, %select_n3A_20 : i32
    %ne3A_22 = arith.constant 0 : i32
    %ne3A_23 = arith.cmpi ne, %rem3A_21, %ne3A_22 : i32
    %lt3A = arith.constant 0 : i32
    %lt3A_24 = arith.cmpi slt, %rem3A_21, %lt3A : i32
    %lt3A_25 = arith.constant 0 : i32
    %lt3A_26 = arith.cmpi slt, %select_n3A_20, %lt3A_25 : i32
    %ne3A_27 = arith.xori %lt3A_24, %lt3A_26 : i1
    %and3A_28 = arith.andi %ne3A_27, %ne3A_23 : i1
    %add3A_29 = arith.addi %rem3A_21, %select_n3A_20 : i32
    %select_n3A_30 = arith.select %and3A_28, %add3A_29, %rem3A_21 : i32
    %mul3A_31 = arith.constant 16 : i32
    %mul3A_32 = arith.muli %select_n3A_30, %mul3A_31 : i32
    "tpu.region"() ({
      %run_scoped3A = tpu.sem_alloc : memref<!tpu.dma_semaphore, #tpu.memory_space<semaphore_mem>>
      %dma_start3A = arith.constant 0 : i32
      %dma_start3A_722 = tpu.memref_slice %arg3[%select_n3A, %dma_start3A] : memref<4x128xi32, #tpu.memory_space<hbm>> -> memref<1x128xi32, #tpu.memory_space<hbm>>
      %dma_start3A_723 = tpu.memref_squeeze %dma_start3A_722 : memref<1x128xi32, #tpu.memory_space<hbm>> -> memref<128xi32, #tpu.memory_space<hbm>>
      %dma_start3A_724 = arith.constant 0 : i32
      %dma_start3A_725 = tpu.memref_slice %arg3[%select_n3A, %dma_start3A_724] : memref<4x128xi32, #tpu.memory_space<hbm>> -> memref<1x128xi32, #tpu.memory_space<hbm>>
      %dma_start3A_726 = tpu.memref_squeeze %dma_start3A_725 : memref<1x128xi32, #tpu.memory_space<hbm>> -> memref<128xi32, #tpu.memory_space<hbm>>
      tpu.enqueue_dma source(%dma_start3A_726 : memref<128xi32, #tpu.memory_space<hbm>>) target(%arg5 : memref<128xi32, #tpu.memory_space<vmem>>) target_semaphore(%run_scoped3A : memref<!tpu.dma_semaphore, #tpu.memory_space<semaphore_mem>>)
      %dma_wait3A = arith.constant 0 : i32
      %dma_wait3A_727 = tpu.memref_slice %arg3[%select_n3A, %dma_wait3A] : memref<4x128xi32, #tpu.memory_space<hbm>> -> memref<1x128xi32, #tpu.memory_space<hbm>>
      %dma_wait3A_728 = tpu.memref_squeeze %dma_wait3A_727 : memref<1x128xi32, #tpu.memory_space<hbm>> -> memref<128xi32, #tpu.memory_space<hbm>>
      %dma_wait3A_729 = arith.constant 0 : i32
      %dma_wait3A_730 = tpu.memref_slice %arg3[%select_n3A, %dma_wait3A_729] : memref<4x128xi32, #tpu.memory_space<hbm>> -> memref<1x128xi32, #tpu.memory_space<hbm>>
      %dma_wait3A_731 = tpu.memref_squeeze %dma_wait3A_730 : memref<1x128xi32, #tpu.memory_space<hbm>> -> memref<128xi32, #tpu.memory_space<hbm>>
      tpu.wait_dma2 semaphore(%run_scoped3A : memref<!tpu.dma_semaphore, #tpu.memory_space<semaphore_mem>>) src(%dma_wait3A_731 : memref<128xi32, #tpu.memory_space<hbm>>) dst(%arg5 : memref<128xi32, #tpu.memory_space<vmem>>)
      tpu.yield
    }) : () -> ()
    "tpu.region"() ({
      %run_scoped3A = tpu.sem_alloc : memref<!tpu.dma_semaphore, #tpu.memory_space<semaphore_mem>>
      %dma_start3A = arith.constant 0 : i32
      %dma_start3A_722 = tpu.memref_slice %arg2[%select_n3A, %dma_start3A] : memref<4x65536xf32, #tpu.memory_space<hbm>> -> memref<1x65536xf32, #tpu.memory_space<hbm>>
      %dma_start3A_723 = tpu.memref_squeeze %dma_start3A_722 : memref<1x65536xf32, #tpu.memory_space<hbm>> -> memref<65536xf32, #tpu.memory_space<hbm>>
      %dma_start3A_724 = arith.constant 0 : i32
      %dma_start3A_725 = tpu.memref_slice %arg2[%select_n3A, %dma_start3A_724] : memref<4x65536xf32, #tpu.memory_space<hbm>> -> memref<1x65536xf32, #tpu.memory_space<hbm>>
      %dma_start3A_726 = tpu.memref_squeeze %dma_start3A_725 : memref<1x65536xf32, #tpu.memory_space<hbm>> -> memref<65536xf32, #tpu.memory_space<hbm>>
      tpu.enqueue_dma source(%dma_start3A_726 : memref<65536xf32, #tpu.memory_space<hbm>>) target(%arg6 : memref<65536xf32, #tpu.memory_space<vmem>>) target_semaphore(%run_scoped3A : memref<!tpu.dma_semaphore, #tpu.memory_space<semaphore_mem>>)
      %dma_wait3A = arith.constant 0 : i32
      %dma_wait3A_727 = tpu.memref_slice %arg2[%select_n3A, %dma_wait3A] : memref<4x65536xf32, #tpu.memory_space<hbm>> -> memref<1x65536xf32, #tpu.memory_space<hbm>>
      %dma_wait3A_728 = tpu.memref_squeeze %dma_wait3A_727 : memref<1x65536xf32, #tpu.memory_space<hbm>> -> memref<65536xf32, #tpu.memory_space<hbm>>
      %dma_wait3A_729 = arith.constant 0 : i32
      %dma_wait3A_730 = tpu.memref_slice %arg2[%select_n3A, %dma_wait3A_729] : memref<4x65536xf32, #tpu.memory_space<hbm>> -> memref<1x65536xf32, #tpu.memory_space<hbm>>
      %dma_wait3A_731 = tpu.memref_squeeze %dma_wait3A_730 : memref<1x65536xf32, #tpu.memory_space<hbm>> -> memref<65536xf32, #tpu.memory_space<hbm>>
      tpu.wait_dma2 semaphore(%run_scoped3A : memref<!tpu.dma_semaphore, #tpu.memory_space<semaphore_mem>>) src(%dma_wait3A_731 : memref<65536xf32, #tpu.memory_space<hbm>>) dst(%arg6 : memref<65536xf32, #tpu.memory_space<vmem>>)
      tpu.yield
    }) : () -> ()
    %get3A = arith.constant 0 : index
    %get3A_33 = tpu.vector_load %arg5[%get3A] {strides = array<i32>} : memref<128xi32, #tpu.memory_space<vmem>>, vector<16xi32>,
    %get3A_34 = arith.constant 16 : index
    %get3A_35 = tpu.vector_load %arg5[%get3A_34] {strides = array<i32>} : memref<128xi32, #tpu.memory_space<vmem>>, vector<16xi32>,
    %get3A_36 = arith.constant 32 : index
    %get3A_37 = tpu.vector_load %arg5[%get3A_36] {strides = array<i32>} : memref<128xi32, #tpu.memory_space<vmem>>, vector<16xi32>,
    %get3A_38 = arith.constant 48 : index
    %get3A_39 = tpu.vector_load %arg5[%get3A_38] {strides = array<i32>} : memref<128xi32, #tpu.memory_space<vmem>>, vector<16xi32>,
    %get3A_40 = arith.constant 64 : index
    %get3A_41 = tpu.vector_load %arg5[%get3A_40] {strides = array<i32>} : memref<128xi32, #tpu.memory_space<vmem>>, vector<16xi32>,
    %get3A_42 = arith.constant 80 : index
    %get3A_43 = tpu.vector_load %arg5[%get3A_42] {strides = array<i32>} : memref<128xi32, #tpu.memory_space<vmem>>, vector<16xi32>,
    %get3A_44 = arith.constant 96 : index
    %get3A_45 = tpu.vector_load %arg5[%get3A_44] {strides = array<i32>} : memref<128xi32, #tpu.memory_space<vmem>>, vector<16xi32>,
    %get3A_46 = arith.constant 112 : index
    %get3A_47 = tpu.vector_load %arg5[%get3A_46] {strides = array<i32>} : memref<128xi32, #tpu.memory_space<vmem>>, vector<16xi32>,
    %broadcast_in_dim3A = arith.constant 0 : i32
    %broadcast_in_dim3A_48 = vector.broadcast %broadcast_in_dim3A : i32 to vector<16xi32>
    %add3A_49 = arith.constant 0 : i32
    %add3A_50 = arith.addi %mul3A_32, %add3A_49 : i32
    %add3A_51 = vector.broadcast %add3A_50 : i32 to vector<16xi32>
    %add3A_52 = arith.addi %broadcast_in_dim3A_48, %add3A_51 : vector<16xi32>
    %gather3A = tpu.vector_load_idx %arg5[%add3A_52] : memref<128xi32, #tpu.memory_space<vmem>>[vector<16xi32>], vector<16xi32>,
    %mul3A_53 = arith.constant 256 : i32
    %mul3A_54 = vector.broadcast %mul3A_53 : i32 to vector<16xi32>
    %mul3A_55 = arith.muli %gather3A, %mul3A_54 : vector<16xi32>
    %add3A_56 = arith.addi %mul3A_55, %get3A_33 : vector<16xi32>
    %gather3A_57 = tpu.vector_load_idx %arg6[%add3A_56] : memref<65536xf32, #tpu.memory_space<vmem>>[vector<16xi32>], vector<16xf32>,
    %swap3A = arith.constant 0 : index
    %swap3A_58 = tpu.vector_load %arg7[%swap3A] {strides = array<i32>} : memref<2048xf32, #tpu.memory_space<vmem>>, vector<16xf32>,
    tpu.vector_store %arg7[%swap3A], %gather3A_57 {strides = array<i32>} : memref<2048xf32, #tpu.memory_space<vmem>>, vector<16xf32>,
    %add3A_59 = arith.addi %mul3A_55, %get3A_35 : vector<16xi32>
    %gather3A_60 = tpu.vector_load_idx %arg6[%add3A_59] : memref<65536xf32, #tpu.memory_space<vmem>>[vector<16xi32>], vector<16xf32>,
    %swap3A_61 = arith.constant 16 : index
    %swap3A_62 = tpu.vector_load %arg7[%swap3A_61] {strides = array<i32>} : memref<2048xf32, #tpu.memory_space<vmem>>, vector<16xf32>,
    tpu.vector_store %arg7[%swap3A_61], %gather3A_60 {strides = array<i32>} : memref<2048xf32, #tpu.memory_space<vmem>>, vector<16xf32>,
    %add3A_63 = arith.addi %mul3A_55, %get3A_37 : vector<16xi32>
    %gather3A_64 = tpu.vector_load_idx %arg6[%add3A_63] : memref<65536xf32, #tpu.memory_space<vmem>>[vector<16xi32>], vector<16xf32>,
    %swap3A_65 = arith.constant 32 : index
    %swap3A_66 = tpu.vector_load %arg7[%swap3A_65] {strides = array<i32>} : memref<2048xf32, #tpu.memory_space<vmem>>, vector<16xf32>,
    tpu.vector_store %arg7[%swap3A_65], %gather3A_64 {strides = array<i32>} : memref<2048xf32, #tpu.memory_space<vmem>>, vector<16xf32>,
    %add3A_67 = arith.addi %mul3A_55, %get3A_39 : vector<16xi32>
    %gather3A_68 = tpu.vector_load_idx %arg6[%add3A_67] : memref<65536xf32, #tpu.memory_space<vmem>>[vector<16xi32>], vector<16xf32>,
    %swap3A_69 = arith.constant 48 : index
    %swap3A_70 = tpu.vector_load %arg7[%swap3A_69] {strides = array<i32>} : memref<2048xf32, #tpu.memory_space<vmem>>, vector<16xf32>,
    tpu.vector_store %arg7[%swap3A_69], %gather3A_68 {strides = array<i32>} : memref<2048xf32, #tpu.memory_space<vmem>>, vector<16xf32>,
    %add3A_71 = arith.addi %mul3A_55, %get3A_41 : vector<16xi32>
    %gather3A_72 = tpu.vector_load_idx %arg6[%add3A_71] : memref<65536xf32, #tpu.memory_space<vmem>>[vector<16xi32>], vector<16xf32>,
    %swap3A_73 = arith.constant 64 : index
    %swap3A_74 = tpu.vector_load %arg7[%swap3A_73] {strides = array<i32>} : memref<2048xf32, #tpu.memory_space<vmem>>, vector<16xf32>,
    tpu.vector_store %arg7[%swap3A_73], %gather3A_72 {strides = array<i32>} : memref<2048xf32, #tpu.memory_space<vmem>>, vector<16xf32>,
    %add3A_75 = arith.addi %mul3A_55, %get3A_43 : vector<16xi32>
    %gather3A_76 = tpu.vector_load_idx %arg6[%add3A_75] : memref<65536xf32, #tpu.memory_space<vmem>>[vector<16xi32>], vector<16xf32>,
    %swap3A_77 = arith.constant 80 : index
    %swap3A_78 = tpu.vector_load %arg7[%swap3A_77] {strides = array<i32>} : memref<2048xf32, #tpu.memory_space<vmem>>, vector<16xf32>,
    tpu.vector_store %arg7[%swap3A_77], %gather3A_76 {strides = array<i32>} : memref<2048xf32, #tpu.memory_space<vmem>>, vector<16xf32>,
    %add3A_79 = arith.addi %mul3A_55, %get3A_45 : vector<16xi32>
    %gather3A_80 = tpu.vector_load_idx %arg6[%add3A_79] : memref<65536xf32, #tpu.memory_space<vmem>>[vector<16xi32>], vector<16xf32>,
    %swap3A_81 = arith.constant 96 : index
    %swap3A_82 = tpu.vector_load %arg7[%swap3A_81] {strides = array<i32>} : memref<2048xf32, #tpu.memory_space<vmem>>, vector<16xf32>,
    tpu.vector_store %arg7[%swap3A_81], %gather3A_80 {strides = array<i32>} : memref<2048xf32, #tpu.memory_space<vmem>>, vector<16xf32>,
    %add3A_83 = arith.addi %mul3A_55, %get3A_47 : vector<16xi32>
    %gather3A_84 = tpu.vector_load_idx %arg6[%add3A_83] : memref<65536xf32, #tpu.memory_space<vmem>>[vector<16xi32>], vector<16xf32>,
    %swap3A_85 = arith.constant 112 : index
    %swap3A_86 = tpu.vector_load %arg7[%swap3A_85] {strides = array<i32>} : memref<2048xf32, #tpu.memory_space<vmem>>, vector<16xf32>,
    tpu.vector_store %arg7[%swap3A_85], %gather3A_84 {strides = array<i32>} : memref<2048xf32, #tpu.memory_space<vmem>>, vector<16xf32>,
    %broadcast_in_dim3A_87 = arith.constant 0 : i32
    %broadcast_in_dim3A_88 = vector.broadcast %broadcast_in_dim3A_87 : i32 to vector<16xi32>
    %add3A_89 = arith.constant 1 : i32
    %add3A_90 = arith.addi %mul3A_32, %add3A_89 : i32
    %add3A_91 = vector.broadcast %add3A_90 : i32 to vector<16xi32>
    %add3A_92 = arith.addi %broadcast_in_dim3A_88, %add3A_91 : vector<16xi32>
    %gather3A_93 = tpu.vector_load_idx %arg5[%add3A_92] : memref<128xi32, #tpu.memory_space<vmem>>[vector<16xi32>], vector<16xi32>,
    %mul3A_94 = arith.constant 256 : i32
    %mul3A_95 = vector.broadcast %mul3A_94 : i32 to vector<16xi32>
    %mul3A_96 = arith.muli %gather3A_93, %mul3A_95 : vector<16xi32>
    %add3A_97 = arith.addi %mul3A_96, %get3A_33 : vector<16xi32>
    %gather3A_98 = tpu.vector_load_idx %arg6[%add3A_97] : memref<65536xf32, #tpu.memory_space<vmem>>[vector<16xi32>], vector<16xf32>,
    %swap3A_99 = arith.constant 128 : index
    %swap3A_100 = tpu.vector_load %arg7[%swap3A_99] {strides = array<i32>} : memref<2048xf32, #tpu.memory_space<vmem>>, vector<16xf32>,
    tpu.vector_store %arg7[%swap3A_99], %gather3A_98 {strides = array<i32>} : memref<2048xf32, #tpu.memory_space<vmem>>, vector<16xf32>,
    %add3A_101 = arith.addi %mul3A_96, %get3A_35 : vector<16xi32>
    %gather3A_102 = tpu.vector_load_idx %arg6[%add3A_101] : memref<65536xf32, #tpu.memory_space<vmem>>[vector<16xi32>], vector<16xf32>,
    %swap3A_103 = arith.constant 144 : index
    %swap3A_104 = tpu.vector_load %arg7[%swap3A_103] {strides = array<i32>} : memref<2048xf32, #tpu.memory_space<vmem>>, vector<16xf32>,
    tpu.vector_store %arg7[%swap3A_103], %gather3A_102 {strides = array<i32>} : memref<2048xf32, #tpu.memory_space<vmem>>, vector<16xf32>,
    %add3A_105 = arith.addi %mul3A_96, %get3A_37 : vector<16xi32>
    %gather3A_106 = tpu.vector_load_idx %arg6[%add3A_105] : memref<65536xf32, #tpu.memory_space<vmem>>[vector<16xi32>], vector<16xf32>,
    %swap3A_107 = arith.constant 160 : index
    %swap3A_108 = tpu.vector_load %arg7[%swap3A_107] {strides = array<i32>} : memref<2048xf32, #tpu.memory_space<vmem>>, vector<16xf32>,
    tpu.vector_store %arg7[%swap3A_107], %gather3A_106 {strides = array<i32>} : memref<2048xf32, #tpu.memory_space<vmem>>, vector<16xf32>,
    %add3A_109 = arith.addi %mul3A_96, %get3A_39 : vector<16xi32>
    %gather3A_110 = tpu.vector_load_idx %arg6[%add3A_109] : memref<65536xf32, #tpu.memory_space<vmem>>[vector<16xi32>], vector<16xf32>,
    %swap3A_111 = arith.constant 176 : index
    %swap3A_112 = tpu.vector_load %arg7[%swap3A_111] {strides = array<i32>} : memref<2048xf32, #tpu.memory_space<vmem>>, vector<16xf32>,
    tpu.vector_store %arg7[%swap3A_111], %gather3A_110 {strides = array<i32>} : memref<2048xf32, #tpu.memory_space<vmem>>, vector<16xf32>,
    %add3A_113 = arith.addi %mul3A_96, %get3A_41 : vector<16xi32>
    %gather3A_114 = tpu.vector_load_idx %arg6[%add3A_113] : memref<65536xf32, #tpu.memory_space<vmem>>[vector<16xi32>], vector<16xf32>,
    %swap3A_115 = arith.constant 192 : index
    %swap3A_116 = tpu.vector_load %arg7[%swap3A_115] {strides = array<i32>} : memref<2048xf32, #tpu.memory_space<vmem>>, vector<16xf32>,
    tpu.vector_store %arg7[%swap3A_115], %gather3A_114 {strides = array<i32>} : memref<2048xf32, #tpu.memory_space<vmem>>, vector<16xf32>,
    %add3A_117 = arith.addi %mul3A_96, %get3A_43 : vector<16xi32>
    %gather3A_118 = tpu.vector_load_idx %arg6[%add3A_117] : memref<65536xf32, #tpu.memory_space<vmem>>[vector<16xi32>], vector<16xf32>,
    %swap3A_119 = arith.constant 208 : index
    %swap3A_120 = tpu.vector_load %arg7[%swap3A_119] {strides = array<i32>} : memref<2048xf32, #tpu.memory_space<vmem>>, vector<16xf32>,
    tpu.vector_store %arg7[%swap3A_119], %gather3A_118 {strides = array<i32>} : memref<2048xf32, #tpu.memory_space<vmem>>, vector<16xf32>,
    %add3A_121 = arith.addi %mul3A_96, %get3A_45 : vector<16xi32>
    %gather3A_122 = tpu.vector_load_idx %arg6[%add3A_121] : memref<65536xf32, #tpu.memory_space<vmem>>[vector<16xi32>], vector<16xf32>,
    %swap3A_123 = arith.constant 224 : index
    %swap3A_124 = tpu.vector_load %arg7[%swap3A_123] {strides = array<i32>} : memref<2048xf32, #tpu.memory_space<vmem>>, vector<16xf32>,
    tpu.vector_store %arg7[%swap3A_123], %gather3A_122 {strides = array<i32>} : memref<2048xf32, #tpu.memory_space<vmem>>, vector<16xf32>,
    %add3A_125 = arith.addi %mul3A_96, %get3A_47 : vector<16xi32>
    %gather3A_126 = tpu.vector_load_idx %arg6[%add3A_125] : memref<65536xf32, #tpu.memory_space<vmem>>[vector<16xi32>], vector<16xf32>,
    %swap3A_127 = arith.constant 240 : index
    %swap3A_128 = tpu.vector_load %arg7[%swap3A_127] {strides = array<i32>} : memref<2048xf32, #tpu.memory_space<vmem>>, vector<16xf32>,
    tpu.vector_store %arg7[%swap3A_127], %gather3A_126 {strides = array<i32>} : memref<2048xf32, #tpu.memory_space<vmem>>, vector<16xf32>,
    %broadcast_in_dim3A_129 = arith.constant 0 : i32
    %broadcast_in_dim3A_130 = vector.broadcast %broadcast_in_dim3A_129 : i32 to vector<16xi32>
    %add3A_131 = arith.constant 2 : i32
    %add3A_132 = arith.addi %mul3A_32, %add3A_131 : i32
    %add3A_133 = vector.broadcast %add3A_132 : i32 to vector<16xi32>
    %add3A_134 = arith.addi %broadcast_in_dim3A_130, %add3A_133 : vector<16xi32>
    %gather3A_135 = tpu.vector_load_idx %arg5[%add3A_134] : memref<128xi32, #tpu.memory_space<vmem>>[vector<16xi32>], vector<16xi32>,
    %mul3A_136 = arith.constant 256 : i32
    %mul3A_137 = vector.broadcast %mul3A_136 : i32 to vector<16xi32>
    %mul3A_138 = arith.muli %gather3A_135, %mul3A_137 : vector<16xi32>
    %add3A_139 = arith.addi %mul3A_138, %get3A_33 : vector<16xi32>
    %gather3A_140 = tpu.vector_load_idx %arg6[%add3A_139] : memref<65536xf32, #tpu.memory_space<vmem>>[vector<16xi32>], vector<16xf32>,
    %swap3A_141 = arith.constant 256 : index
    %swap3A_142 = tpu.vector_load %arg7[%swap3A_141] {strides = array<i32>} : memref<2048xf32, #tpu.memory_space<vmem>>, vector<16xf32>,
    tpu.vector_store %arg7[%swap3A_141], %gather3A_140 {strides = array<i32>} : memref<2048xf32, #tpu.memory_space<vmem>>, vector<16xf32>,
    %add3A_143 = arith.addi %mul3A_138, %get3A_35 : vector<16xi32>
    %gather3A_144 = tpu.vector_load_idx %arg6[%add3A_143] : memref<65536xf32, #tpu.memory_space<vmem>>[vector<16xi32>], vector<16xf32>,
    %swap3A_145 = arith.constant 272 : index
    %swap3A_146 = tpu.vector_load %arg7[%swap3A_145] {strides = array<i32>} : memref<2048xf32, #tpu.memory_space<vmem>>, vector<16xf32>,
    tpu.vector_store %arg7[%swap3A_145], %gather3A_144 {strides = array<i32>} : memref<2048xf32, #tpu.memory_space<vmem>>, vector<16xf32>,
    %add3A_147 = arith.addi %mul3A_138, %get3A_37 : vector<16xi32>
    %gather3A_148 = tpu.vector_load_idx %arg6[%add3A_147] : memref<65536xf32, #tpu.memory_space<vmem>>[vector<16xi32>], vector<16xf32>,
    %swap3A_149 = arith.constant 288 : index
    %swap3A_150 = tpu.vector_load %arg7[%swap3A_149] {strides = array<i32>} : memref<2048xf32, #tpu.memory_space<vmem>>, vector<16xf32>,
    tpu.vector_store %arg7[%swap3A_149], %gather3A_148 {strides = array<i32>} : memref<2048xf32, #tpu.memory_space<vmem>>, vector<16xf32>,
    %add3A_151 = arith.addi %mul3A_138, %get3A_39 : vector<16xi32>
    %gather3A_152 = tpu.vector_load_idx %arg6[%add3A_151] : memref<65536xf32, #tpu.memory_space<vmem>>[vector<16xi32>], vector<16xf32>,
    %swap3A_153 = arith.constant 304 : index
    %swap3A_154 = tpu.vector_load %arg7[%swap3A_153] {strides = array<i32>} : memref<2048xf32, #tpu.memory_space<vmem>>, vector<16xf32>,
    tpu.vector_store %arg7[%swap3A_153], %gather3A_152 {strides = array<i32>} : memref<2048xf32, #tpu.memory_space<vmem>>, vector<16xf32>,
    %add3A_155 = arith.addi %mul3A_138, %get3A_41 : vector<16xi32>
    %gather3A_156 = tpu.vector_load_idx %arg6[%add3A_155] : memref<65536xf32, #tpu.memory_space<vmem>>[vector<16xi32>], vector<16xf32>,
    %swap3A_157 = arith.constant 320 : index
    %swap3A_158 = tpu.vector_load %arg7[%swap3A_157] {strides = array<i32>} : memref<2048xf32, #tpu.memory_space<vmem>>, vector<16xf32>,
    tpu.vector_store %arg7[%swap3A_157], %gather3A_156 {strides = array<i32>} : memref<2048xf32, #tpu.memory_space<vmem>>, vector<16xf32>,
    %add3A_159 = arith.addi %mul3A_138, %get3A_43 : vector<16xi32>
    %gather3A_160 = tpu.vector_load_idx %arg6[%add3A_159] : memref<65536xf32, #tpu.memory_space<vmem>>[vector<16xi32>], vector<16xf32>,
    %swap3A_161 = arith.constant 336 : index
    %swap3A_162 = tpu.vector_load %arg7[%swap3A_161] {strides = array<i32>} : memref<2048xf32, #tpu.memory_space<vmem>>, vector<16xf32>,
    tpu.vector_store %arg7[%swap3A_161], %gather3A_160 {strides = array<i32>} : memref<2048xf32, #tpu.memory_space<vmem>>, vector<16xf32>,
    %add3A_163 = arith.addi %mul3A_138, %get3A_45 : vector<16xi32>
    %gather3A_164 = tpu.vector_load_idx %arg6[%add3A_163] : memref<65536xf32, #tpu.memory_space<vmem>>[vector<16xi32>], vector<16xf32>,
    %swap3A_165 = arith.constant 352 : index
    %swap3A_166 = tpu.vector_load %arg7[%swap3A_165] {strides = array<i32>} : memref<2048xf32, #tpu.memory_space<vmem>>, vector<16xf32>,
    tpu.vector_store %arg7[%swap3A_165], %gather3A_164 {strides = array<i32>} : memref<2048xf32, #tpu.memory_space<vmem>>, vector<16xf32>,
    %add3A_167 = arith.addi %mul3A_138, %get3A_47 : vector<16xi32>
    %gather3A_168 = tpu.vector_load_idx %arg6[%add3A_167] : memref<65536xf32, #tpu.memory_space<vmem>>[vector<16xi32>], vector<16xf32>,
    %swap3A_169 = arith.constant 368 : index
    %swap3A_170 = tpu.vector_load %arg7[%swap3A_169] {strides = array<i32>} : memref<2048xf32, #tpu.memory_space<vmem>>, vector<16xf32>,
    tpu.vector_store %arg7[%swap3A_169], %gather3A_168 {strides = array<i32>} : memref<2048xf32, #tpu.memory_space<vmem>>, vector<16xf32>,
    %broadcast_in_dim3A_171 = arith.constant 0 : i32
    %broadcast_in_dim3A_172 = vector.broadcast %broadcast_in_dim3A_171 : i32 to vector<16xi32>
    %add3A_173 = arith.constant 3 : i32
    %add3A_174 = arith.addi %mul3A_32, %add3A_173 : i32
    %add3A_175 = vector.broadcast %add3A_174 : i32 to vector<16xi32>
    %add3A_176 = arith.addi %broadcast_in_dim3A_172, %add3A_175 : vector<16xi32>
    %gather3A_177 = tpu.vector_load_idx %arg5[%add3A_176] : memref<128xi32, #tpu.memory_space<vmem>>[vector<16xi32>], vector<16xi32>,
    %mul3A_178 = arith.constant 256 : i32
    %mul3A_179 = vector.broadcast %mul3A_178 : i32 to vector<16xi32>
    %mul3A_180 = arith.muli %gather3A_177, %mul3A_179 : vector<16xi32>
    %add3A_181 = arith.addi %mul3A_180, %get3A_33 : vector<16xi32>
    %gather3A_182 = tpu.vector_load_idx %arg6[%add3A_181] : memref<65536xf32, #tpu.memory_space<vmem>>[vector<16xi32>], vector<16xf32>,
    %swap3A_183 = arith.constant 384 : index
    %swap3A_184 = tpu.vector_load %arg7[%swap3A_183] {strides = array<i32>} : memref<2048xf32, #tpu.memory_space<vmem>>, vector<16xf32>,
    tpu.vector_store %arg7[%swap3A_183], %gather3A_182 {strides = array<i32>} : memref<2048xf32, #tpu.memory_space<vmem>>, vector<16xf32>,
    %add3A_185 = arith.addi %mul3A_180, %get3A_35 : vector<16xi32>
    %gather3A_186 = tpu.vector_load_idx %arg6[%add3A_185] : memref<65536xf32, #tpu.memory_space<vmem>>[vector<16xi32>], vector<16xf32>,
    %swap3A_187 = arith.constant 400 : index
    %swap3A_188 = tpu.vector_load %arg7[%swap3A_187] {strides = array<i32>} : memref<2048xf32, #tpu.memory_space<vmem>>, vector<16xf32>,
    tpu.vector_store %arg7[%swap3A_187], %gather3A_186 {strides = array<i32>} : memref<2048xf32, #tpu.memory_space<vmem>>, vector<16xf32>,
    %add3A_189 = arith.addi %mul3A_180, %get3A_37 : vector<16xi32>
    %gather3A_190 = tpu.vector_load_idx %arg6[%add3A_189] : memref<65536xf32, #tpu.memory_space<vmem>>[vector<16xi32>], vector<16xf32>,
    %swap3A_191 = arith.constant 416 : index
    %swap3A_192 = tpu.vector_load %arg7[%swap3A_191] {strides = array<i32>} : memref<2048xf32, #tpu.memory_space<vmem>>, vector<16xf32>,
    tpu.vector_store %arg7[%swap3A_191], %gather3A_190 {strides = array<i32>} : memref<2048xf32, #tpu.memory_space<vmem>>, vector<16xf32>,
    %add3A_193 = arith.addi %mul3A_180, %get3A_39 : vector<16xi32>
    %gather3A_194 = tpu.vector_load_idx %arg6[%add3A_193] : memref<65536xf32, #tpu.memory_space<vmem>>[vector<16xi32>], vector<16xf32>,
    %swap3A_195 = arith.constant 432 : index
    %swap3A_196 = tpu.vector_load %arg7[%swap3A_195] {strides = array<i32>} : memref<2048xf32, #tpu.memory_space<vmem>>, vector<16xf32>,
    tpu.vector_store %arg7[%swap3A_195], %gather3A_194 {strides = array<i32>} : memref<2048xf32, #tpu.memory_space<vmem>>, vector<16xf32>,
    %add3A_197 = arith.addi %mul3A_180, %get3A_41 : vector<16xi32>
    %gather3A_198 = tpu.vector_load_idx %arg6[%add3A_197] : memref<65536xf32, #tpu.memory_space<vmem>>[vector<16xi32>], vector<16xf32>,
    %swap3A_199 = arith.constant 448 : index
    %swap3A_200 = tpu.vector_load %arg7[%swap3A_199] {strides = array<i32>} : memref<2048xf32, #tpu.memory_space<vmem>>, vector<16xf32>,
    tpu.vector_store %arg7[%swap3A_199], %gather3A_198 {strides = array<i32>} : memref<2048xf32, #tpu.memory_space<vmem>>, vector<16xf32>,
    %add3A_201 = arith.addi %mul3A_180, %get3A_43 : vector<16xi32>
    %gather3A_202 = tpu.vector_load_idx %arg6[%add3A_201] : memref<65536xf32, #tpu.memory_space<vmem>>[vector<16xi32>], vector<16xf32>,
    %swap3A_203 = arith.constant 464 : index
    %swap3A_204 = tpu.vector_load %arg7[%swap3A_203] {strides = array<i32>} : memref<2048xf32, #tpu.memory_space<vmem>>, vector<16xf32>,
    tpu.vector_store %arg7[%swap3A_203], %gather3A_202 {strides = array<i32>} : memref<2048xf32, #tpu.memory_space<vmem>>, vector<16xf32>,
    %add3A_205 = arith.addi %mul3A_180, %get3A_45 : vector<16xi32>
    %gather3A_206 = tpu.vector_load_idx %arg6[%add3A_205] : memref<65536xf32, #tpu.memory_space<vmem>>[vector<16xi32>], vector<16xf32>,
    %swap3A_207 = arith.constant 480 : index
    %swap3A_208 = tpu.vector_load %arg7[%swap3A_207] {strides = array<i32>} : memref<2048xf32, #tpu.memory_space<vmem>>, vector<16xf32>,
    tpu.vector_store %arg7[%swap3A_207], %gather3A_206 {strides = array<i32>} : memref<2048xf32, #tpu.memory_space<vmem>>, vector<16xf32>,
    %add3A_209 = arith.addi %mul3A_180, %get3A_47 : vector<16xi32>
    %gather3A_210 = tpu.vector_load_idx %arg6[%add3A_209] : memref<65536xf32, #tpu.memory_space<vmem>>[vector<16xi32>], vector<16xf32>,
    %swap3A_211 = arith.constant 496 : index
    %swap3A_212 = tpu.vector_load %arg7[%swap3A_211] {strides = array<i32>} : memref<2048xf32, #tpu.memory_space<vmem>>, vector<16xf32>,
    tpu.vector_store %arg7[%swap3A_211], %gather3A_210 {strides = array<i32>} : memref<2048xf32, #tpu.memory_space<vmem>>, vector<16xf32>,
    %broadcast_in_dim3A_213 = arith.constant 0 : i32
    %broadcast_in_dim3A_214 = vector.broadcast %broadcast_in_dim3A_213 : i32 to vector<16xi32>
    %add3A_215 = arith.constant 4 : i32
    %add3A_216 = arith.addi %mul3A_32, %add3A_215 : i32
    %add3A_217 = vector.broadcast %add3A_216 : i32 to vector<16xi32>
    %add3A_218 = arith.addi %broadcast_in_dim3A_214, %add3A_217 : vector<16xi32>
    %gather3A_219 = tpu.vector_load_idx %arg5[%add3A_218] : memref<128xi32, #tpu.memory_space<vmem>>[vector<16xi32>], vector<16xi32>,
    %mul3A_220 = arith.constant 256 : i32
    %mul3A_221 = vector.broadcast %mul3A_220 : i32 to vector<16xi32>
    %mul3A_222 = arith.muli %gather3A_219, %mul3A_221 : vector<16xi32>
    %add3A_223 = arith.addi %mul3A_222, %get3A_33 : vector<16xi32>
    %gather3A_224 = tpu.vector_load_idx %arg6[%add3A_223] : memref<65536xf32, #tpu.memory_space<vmem>>[vector<16xi32>], vector<16xf32>,
    %swap3A_225 = arith.constant 512 : index
    %swap3A_226 = tpu.vector_load %arg7[%swap3A_225] {strides = array<i32>} : memref<2048xf32, #tpu.memory_space<vmem>>, vector<16xf32>,
    tpu.vector_store %arg7[%swap3A_225], %gather3A_224 {strides = array<i32>} : memref<2048xf32, #tpu.memory_space<vmem>>, vector<16xf32>,
    %add3A_227 = arith.addi %mul3A_222, %get3A_35 : vector<16xi32>
    %gather3A_228 = tpu.vector_load_idx %arg6[%add3A_227] : memref<65536xf32, #tpu.memory_space<vmem>>[vector<16xi32>], vector<16xf32>,
    %swap3A_229 = arith.constant 528 : index
    %swap3A_230 = tpu.vector_load %arg7[%swap3A_229] {strides = array<i32>} : memref<2048xf32, #tpu.memory_space<vmem>>, vector<16xf32>,
    tpu.vector_store %arg7[%swap3A_229], %gather3A_228 {strides = array<i32>} : memref<2048xf32, #tpu.memory_space<vmem>>, vector<16xf32>,
    %add3A_231 = arith.addi %mul3A_222, %get3A_37 : vector<16xi32>
    %gather3A_232 = tpu.vector_load_idx %arg6[%add3A_231] : memref<65536xf32, #tpu.memory_space<vmem>>[vector<16xi32>], vector<16xf32>,
    %swap3A_233 = arith.constant 544 : index
    %swap3A_234 = tpu.vector_load %arg7[%swap3A_233] {strides = array<i32>} : memref<2048xf32, #tpu.memory_space<vmem>>, vector<16xf32>,
    tpu.vector_store %arg7[%swap3A_233], %gather3A_232 {strides = array<i32>} : memref<2048xf32, #tpu.memory_space<vmem>>, vector<16xf32>,
    %add3A_235 = arith.addi %mul3A_222, %get3A_39 : vector<16xi32>
    %gather3A_236 = tpu.vector_load_idx %arg6[%add3A_235] : memref<65536xf32, #tpu.memory_space<vmem>>[vector<16xi32>], vector<16xf32>,
    %swap3A_237 = arith.constant 560 : index
    %swap3A_238 = tpu.vector_load %arg7[%swap3A_237] {strides = array<i32>} : memref<2048xf32, #tpu.memory_space<vmem>>, vector<16xf32>,
    tpu.vector_store %arg7[%swap3A_237], %gather3A_236 {strides = array<i32>} : memref<2048xf32, #tpu.memory_space<vmem>>, vector<16xf32>,
    %add3A_239 = arith.addi %mul3A_222, %get3A_41 : vector<16xi32>
    %gather3A_240 = tpu.vector_load_idx %arg6[%add3A_239] : memref<65536xf32, #tpu.memory_space<vmem>>[vector<16xi32>], vector<16xf32>,
    %swap3A_241 = arith.constant 576 : index
    %swap3A_242 = tpu.vector_load %arg7[%swap3A_241] {strides = array<i32>} : memref<2048xf32, #tpu.memory_space<vmem>>, vector<16xf32>,
    tpu.vector_store %arg7[%swap3A_241], %gather3A_240 {strides = array<i32>} : memref<2048xf32, #tpu.memory_space<vmem>>, vector<16xf32>,
    %add3A_243 = arith.addi %mul3A_222, %get3A_43 : vector<16xi32>
    %gather3A_244 = tpu.vector_load_idx %arg6[%add3A_243] : memref<65536xf32, #tpu.memory_space<vmem>>[vector<16xi32>], vector<16xf32>,
    %swap3A_245 = arith.constant 592 : index
    %swap3A_246 = tpu.vector_load %arg7[%swap3A_245] {strides = array<i32>} : memref<2048xf32, #tpu.memory_space<vmem>>, vector<16xf32>,
    tpu.vector_store %arg7[%swap3A_245], %gather3A_244 {strides = array<i32>} : memref<2048xf32, #tpu.memory_space<vmem>>, vector<16xf32>,
    %add3A_247 = arith.addi %mul3A_222, %get3A_45 : vector<16xi32>
    %gather3A_248 = tpu.vector_load_idx %arg6[%add3A_247] : memref<65536xf32, #tpu.memory_space<vmem>>[vector<16xi32>], vector<16xf32>,
    %swap3A_249 = arith.constant 608 : index
    %swap3A_250 = tpu.vector_load %arg7[%swap3A_249] {strides = array<i32>} : memref<2048xf32, #tpu.memory_space<vmem>>, vector<16xf32>,
    tpu.vector_store %arg7[%swap3A_249], %gather3A_248 {strides = array<i32>} : memref<2048xf32, #tpu.memory_space<vmem>>, vector<16xf32>,
    %add3A_251 = arith.addi %mul3A_222, %get3A_47 : vector<16xi32>
    %gather3A_252 = tpu.vector_load_idx %arg6[%add3A_251] : memref<65536xf32, #tpu.memory_space<vmem>>[vector<16xi32>], vector<16xf32>,
    %swap3A_253 = arith.constant 624 : index
    %swap3A_254 = tpu.vector_load %arg7[%swap3A_253] {strides = array<i32>} : memref<2048xf32, #tpu.memory_space<vmem>>, vector<16xf32>,
    tpu.vector_store %arg7[%swap3A_253], %gather3A_252 {strides = array<i32>} : memref<2048xf32, #tpu.memory_space<vmem>>, vector<16xf32>,
    %broadcast_in_dim3A_255 = arith.constant 0 : i32
    %broadcast_in_dim3A_256 = vector.broadcast %broadcast_in_dim3A_255 : i32 to vector<16xi32>
    %add3A_257 = arith.constant 5 : i32
    %add3A_258 = arith.addi %mul3A_32, %add3A_257 : i32
    %add3A_259 = vector.broadcast %add3A_258 : i32 to vector<16xi32>
    %add3A_260 = arith.addi %broadcast_in_dim3A_256, %add3A_259 : vector<16xi32>
    %gather3A_261 = tpu.vector_load_idx %arg5[%add3A_260] : memref<128xi32, #tpu.memory_space<vmem>>[vector<16xi32>], vector<16xi32>,
    %mul3A_262 = arith.constant 256 : i32
    %mul3A_263 = vector.broadcast %mul3A_262 : i32 to vector<16xi32>
    %mul3A_264 = arith.muli %gather3A_261, %mul3A_263 : vector<16xi32>
    %add3A_265 = arith.addi %mul3A_264, %get3A_33 : vector<16xi32>
    %gather3A_266 = tpu.vector_load_idx %arg6[%add3A_265] : memref<65536xf32, #tpu.memory_space<vmem>>[vector<16xi32>], vector<16xf32>,
    %swap3A_267 = arith.constant 640 : index
    %swap3A_268 = tpu.vector_load %arg7[%swap3A_267] {strides = array<i32>} : memref<2048xf32, #tpu.memory_space<vmem>>, vector<16xf32>,
    tpu.vector_store %arg7[%swap3A_267], %gather3A_266 {strides = array<i32>} : memref<2048xf32, #tpu.memory_space<vmem>>, vector<16xf32>,
    %add3A_269 = arith.addi %mul3A_264, %get3A_35 : vector<16xi32>
    %gather3A_270 = tpu.vector_load_idx %arg6[%add3A_269] : memref<65536xf32, #tpu.memory_space<vmem>>[vector<16xi32>], vector<16xf32>,
    %swap3A_271 = arith.constant 656 : index
    %swap3A_272 = tpu.vector_load %arg7[%swap3A_271] {strides = array<i32>} : memref<2048xf32, #tpu.memory_space<vmem>>, vector<16xf32>,
    tpu.vector_store %arg7[%swap3A_271], %gather3A_270 {strides = array<i32>} : memref<2048xf32, #tpu.memory_space<vmem>>, vector<16xf32>,
    %add3A_273 = arith.addi %mul3A_264, %get3A_37 : vector<16xi32>
    %gather3A_274 = tpu.vector_load_idx %arg6[%add3A_273] : memref<65536xf32, #tpu.memory_space<vmem>>[vector<16xi32>], vector<16xf32>,
    %swap3A_275 = arith.constant 672 : index
    %swap3A_276 = tpu.vector_load %arg7[%swap3A_275] {strides = array<i32>} : memref<2048xf32, #tpu.memory_space<vmem>>, vector<16xf32>,
    tpu.vector_store %arg7[%swap3A_275], %gather3A_274 {strides = array<i32>} : memref<2048xf32, #tpu.memory_space<vmem>>, vector<16xf32>,
    %add3A_277 = arith.addi %mul3A_264, %get3A_39 : vector<16xi32>
    %gather3A_278 = tpu.vector_load_idx %arg6[%add3A_277] : memref<65536xf32, #tpu.memory_space<vmem>>[vector<16xi32>], vector<16xf32>,
    %swap3A_279 = arith.constant 688 : index
    %swap3A_280 = tpu.vector_load %arg7[%swap3A_279] {strides = array<i32>} : memref<2048xf32, #tpu.memory_space<vmem>>, vector<16xf32>,
    tpu.vector_store %arg7[%swap3A_279], %gather3A_278 {strides = array<i32>} : memref<2048xf32, #tpu.memory_space<vmem>>, vector<16xf32>,
    %add3A_281 = arith.addi %mul3A_264, %get3A_41 : vector<16xi32>
    %gather3A_282 = tpu.vector_load_idx %arg6[%add3A_281] : memref<65536xf32, #tpu.memory_space<vmem>>[vector<16xi32>], vector<16xf32>,
    %swap3A_283 = arith.constant 704 : index
    %swap3A_284 = tpu.vector_load %arg7[%swap3A_283] {strides = array<i32>} : memref<2048xf32, #tpu.memory_space<vmem>>, vector<16xf32>,
    tpu.vector_store %arg7[%swap3A_283], %gather3A_282 {strides = array<i32>} : memref<2048xf32, #tpu.memory_space<vmem>>, vector<16xf32>,
    %add3A_285 = arith.addi %mul3A_264, %get3A_43 : vector<16xi32>
    %gather3A_286 = tpu.vector_load_idx %arg6[%add3A_285] : memref<65536xf32, #tpu.memory_space<vmem>>[vector<16xi32>], vector<16xf32>,
    %swap3A_287 = arith.constant 720 : index
    %swap3A_288 = tpu.vector_load %arg7[%swap3A_287] {strides = array<i32>} : memref<2048xf32, #tpu.memory_space<vmem>>, vector<16xf32>,
    tpu.vector_store %arg7[%swap3A_287], %gather3A_286 {strides = array<i32>} : memref<2048xf32, #tpu.memory_space<vmem>>, vector<16xf32>,
    %add3A_289 = arith.addi %mul3A_264, %get3A_45 : vector<16xi32>
    %gather3A_290 = tpu.vector_load_idx %arg6[%add3A_289] : memref<65536xf32, #tpu.memory_space<vmem>>[vector<16xi32>], vector<16xf32>,
    %swap3A_291 = arith.constant 736 : index
    %swap3A_292 = tpu.vector_load %arg7[%swap3A_291] {strides = array<i32>} : memref<2048xf32, #tpu.memory_space<vmem>>, vector<16xf32>,
    tpu.vector_store %arg7[%swap3A_291], %gather3A_290 {strides = array<i32>} : memref<2048xf32, #tpu.memory_space<vmem>>, vector<16xf32>,
    %add3A_293 = arith.addi %mul3A_264, %get3A_47 : vector<16xi32>
    %gather3A_294 = tpu.vector_load_idx %arg6[%add3A_293] : memref<65536xf32, #tpu.memory_space<vmem>>[vector<16xi32>], vector<16xf32>,
    %swap3A_295 = arith.constant 752 : index
    %swap3A_296 = tpu.vector_load %arg7[%swap3A_295] {strides = array<i32>} : memref<2048xf32, #tpu.memory_space<vmem>>, vector<16xf32>,
    tpu.vector_store %arg7[%swap3A_295], %gather3A_294 {strides = array<i32>} : memref<2048xf32, #tpu.memory_space<vmem>>, vector<16xf32>,
    %broadcast_in_dim3A_297 = arith.constant 0 : i32
    %broadcast_in_dim3A_298 = vector.broadcast %broadcast_in_dim3A_297 : i32 to vector<16xi32>
    %add3A_299 = arith.constant 6 : i32
    %add3A_300 = arith.addi %mul3A_32, %add3A_299 : i32
    %add3A_301 = vector.broadcast %add3A_300 : i32 to vector<16xi32>
    %add3A_302 = arith.addi %broadcast_in_dim3A_298, %add3A_301 : vector<16xi32>
    %gather3A_303 = tpu.vector_load_idx %arg5[%add3A_302] : memref<128xi32, #tpu.memory_space<vmem>>[vector<16xi32>], vector<16xi32>,
    %mul3A_304 = arith.constant 256 : i32
    %mul3A_305 = vector.broadcast %mul3A_304 : i32 to vector<16xi32>
    %mul3A_306 = arith.muli %gather3A_303, %mul3A_305 : vector<16xi32>
    %add3A_307 = arith.addi %mul3A_306, %get3A_33 : vector<16xi32>
    %gather3A_308 = tpu.vector_load_idx %arg6[%add3A_307] : memref<65536xf32, #tpu.memory_space<vmem>>[vector<16xi32>], vector<16xf32>,
    %swap3A_309 = arith.constant 768 : index
    %swap3A_310 = tpu.vector_load %arg7[%swap3A_309] {strides = array<i32>} : memref<2048xf32, #tpu.memory_space<vmem>>, vector<16xf32>,
    tpu.vector_store %arg7[%swap3A_309], %gather3A_308 {strides = array<i32>} : memref<2048xf32, #tpu.memory_space<vmem>>, vector<16xf32>,
    %add3A_311 = arith.addi %mul3A_306, %get3A_35 : vector<16xi32>
    %gather3A_312 = tpu.vector_load_idx %arg6[%add3A_311] : memref<65536xf32, #tpu.memory_space<vmem>>[vector<16xi32>], vector<16xf32>,
    %swap3A_313 = arith.constant 784 : index
    %swap3A_314 = tpu.vector_load %arg7[%swap3A_313] {strides = array<i32>} : memref<2048xf32, #tpu.memory_space<vmem>>, vector<16xf32>,
    tpu.vector_store %arg7[%swap3A_313], %gather3A_312 {strides = array<i32>} : memref<2048xf32, #tpu.memory_space<vmem>>, vector<16xf32>,
    %add3A_315 = arith.addi %mul3A_306, %get3A_37 : vector<16xi32>
    %gather3A_316 = tpu.vector_load_idx %arg6[%add3A_315] : memref<65536xf32, #tpu.memory_space<vmem>>[vector<16xi32>], vector<16xf32>,
    %swap3A_317 = arith.constant 800 : index
    %swap3A_318 = tpu.vector_load %arg7[%swap3A_317] {strides = array<i32>} : memref<2048xf32, #tpu.memory_space<vmem>>, vector<16xf32>,
    tpu.vector_store %arg7[%swap3A_317], %gather3A_316 {strides = array<i32>} : memref<2048xf32, #tpu.memory_space<vmem>>, vector<16xf32>,
    %add3A_319 = arith.addi %mul3A_306, %get3A_39 : vector<16xi32>
    %gather3A_320 = tpu.vector_load_idx %arg6[%add3A_319] : memref<65536xf32, #tpu.memory_space<vmem>>[vector<16xi32>], vector<16xf32>,
    %swap3A_321 = arith.constant 816 : index
    %swap3A_322 = tpu.vector_load %arg7[%swap3A_321] {strides = array<i32>} : memref<2048xf32, #tpu.memory_space<vmem>>, vector<16xf32>,
    tpu.vector_store %arg7[%swap3A_321], %gather3A_320 {strides = array<i32>} : memref<2048xf32, #tpu.memory_space<vmem>>, vector<16xf32>,
    %add3A_323 = arith.addi %mul3A_306, %get3A_41 : vector<16xi32>
    %gather3A_324 = tpu.vector_load_idx %arg6[%add3A_323] : memref<65536xf32, #tpu.memory_space<vmem>>[vector<16xi32>], vector<16xf32>,
    %swap3A_325 = arith.constant 832 : index
    %swap3A_326 = tpu.vector_load %arg7[%swap3A_325] {strides = array<i32>} : memref<2048xf32, #tpu.memory_space<vmem>>, vector<16xf32>,
    tpu.vector_store %arg7[%swap3A_325], %gather3A_324 {strides = array<i32>} : memref<2048xf32, #tpu.memory_space<vmem>>, vector<16xf32>,
    %add3A_327 = arith.addi %mul3A_306, %get3A_43 : vector<16xi32>
    %gather3A_328 = tpu.vector_load_idx %arg6[%add3A_327] : memref<65536xf32, #tpu.memory_space<vmem>>[vector<16xi32>], vector<16xf32>,
    %swap3A_329 = arith.constant 848 : index
    %swap3A_330 = tpu.vector_load %arg7[%swap3A_329] {strides = array<i32>} : memref<2048xf32, #tpu.memory_space<vmem>>, vector<16xf32>,
    tpu.vector_store %arg7[%swap3A_329], %gather3A_328 {strides = array<i32>} : memref<2048xf32, #tpu.memory_space<vmem>>, vector<16xf32>,
    %add3A_331 = arith.addi %mul3A_306, %get3A_45 : vector<16xi32>
    %gather3A_332 = tpu.vector_load_idx %arg6[%add3A_331] : memref<65536xf32, #tpu.memory_space<vmem>>[vector<16xi32>], vector<16xf32>,
    %swap3A_333 = arith.constant 864 : index
    %swap3A_334 = tpu.vector_load %arg7[%swap3A_333] {strides = array<i32>} : memref<2048xf32, #tpu.memory_space<vmem>>, vector<16xf32>,
    tpu.vector_store %arg7[%swap3A_333], %gather3A_332 {strides = array<i32>} : memref<2048xf32, #tpu.memory_space<vmem>>, vector<16xf32>,
    %add3A_335 = arith.addi %mul3A_306, %get3A_47 : vector<16xi32>
    %gather3A_336 = tpu.vector_load_idx %arg6[%add3A_335] : memref<65536xf32, #tpu.memory_space<vmem>>[vector<16xi32>], vector<16xf32>,
    %swap3A_337 = arith.constant 880 : index
    %swap3A_338 = tpu.vector_load %arg7[%swap3A_337] {strides = array<i32>} : memref<2048xf32, #tpu.memory_space<vmem>>, vector<16xf32>,
    tpu.vector_store %arg7[%swap3A_337], %gather3A_336 {strides = array<i32>} : memref<2048xf32, #tpu.memory_space<vmem>>, vector<16xf32>,
    %broadcast_in_dim3A_339 = arith.constant 0 : i32
    %broadcast_in_dim3A_340 = vector.broadcast %broadcast_in_dim3A_339 : i32 to vector<16xi32>
    %add3A_341 = arith.constant 7 : i32
    %add3A_342 = arith.addi %mul3A_32, %add3A_341 : i32
    %add3A_343 = vector.broadcast %add3A_342 : i32 to vector<16xi32>
    %add3A_344 = arith.addi %broadcast_in_dim3A_340, %add3A_343 : vector<16xi32>
    %gather3A_345 = tpu.vector_load_idx %arg5[%add3A_344] : memref<128xi32, #tpu.memory_space<vmem>>[vector<16xi32>], vector<16xi32>,
    %mul3A_346 = arith.constant 256 : i32
    %mul3A_347 = vector.broadcast %mul3A_346 : i32 to vector<16xi32>
    %mul3A_348 = arith.muli %gather3A_345, %mul3A_347 : vector<16xi32>
    %add3A_349 = arith.addi %mul3A_348, %get3A_33 : vector<16xi32>
    %gather3A_350 = tpu.vector_load_idx %arg6[%add3A_349] : memref<65536xf32, #tpu.memory_space<vmem>>[vector<16xi32>], vector<16xf32>,
    %swap3A_351 = arith.constant 896 : index
    %swap3A_352 = tpu.vector_load %arg7[%swap3A_351] {strides = array<i32>} : memref<2048xf32, #tpu.memory_space<vmem>>, vector<16xf32>,
    tpu.vector_store %arg7[%swap3A_351], %gather3A_350 {strides = array<i32>} : memref<2048xf32, #tpu.memory_space<vmem>>, vector<16xf32>,
    %add3A_353 = arith.addi %mul3A_348, %get3A_35 : vector<16xi32>
    %gather3A_354 = tpu.vector_load_idx %arg6[%add3A_353] : memref<65536xf32, #tpu.memory_space<vmem>>[vector<16xi32>], vector<16xf32>,
    %swap3A_355 = arith.constant 912 : index
    %swap3A_356 = tpu.vector_load %arg7[%swap3A_355] {strides = array<i32>} : memref<2048xf32, #tpu.memory_space<vmem>>, vector<16xf32>,
    tpu.vector_store %arg7[%swap3A_355], %gather3A_354 {strides = array<i32>} : memref<2048xf32, #tpu.memory_space<vmem>>, vector<16xf32>,
    %add3A_357 = arith.addi %mul3A_348, %get3A_37 : vector<16xi32>
    %gather3A_358 = tpu.vector_load_idx %arg6[%add3A_357] : memref<65536xf32, #tpu.memory_space<vmem>>[vector<16xi32>], vector<16xf32>,
    %swap3A_359 = arith.constant 928 : index
    %swap3A_360 = tpu.vector_load %arg7[%swap3A_359] {strides = array<i32>} : memref<2048xf32, #tpu.memory_space<vmem>>, vector<16xf32>,
    tpu.vector_store %arg7[%swap3A_359], %gather3A_358 {strides = array<i32>} : memref<2048xf32, #tpu.memory_space<vmem>>, vector<16xf32>,
    %add3A_361 = arith.addi %mul3A_348, %get3A_39 : vector<16xi32>
    %gather3A_362 = tpu.vector_load_idx %arg6[%add3A_361] : memref<65536xf32, #tpu.memory_space<vmem>>[vector<16xi32>], vector<16xf32>,
    %swap3A_363 = arith.constant 944 : index
    %swap3A_364 = tpu.vector_load %arg7[%swap3A_363] {strides = array<i32>} : memref<2048xf32, #tpu.memory_space<vmem>>, vector<16xf32>,
    tpu.vector_store %arg7[%swap3A_363], %gather3A_362 {strides = array<i32>} : memref<2048xf32, #tpu.memory_space<vmem>>, vector<16xf32>,
    %add3A_365 = arith.addi %mul3A_348, %get3A_41 : vector<16xi32>
    %gather3A_366 = tpu.vector_load_idx %arg6[%add3A_365] : memref<65536xf32, #tpu.memory_space<vmem>>[vector<16xi32>], vector<16xf32>,
    %swap3A_367 = arith.constant 960 : index
    %swap3A_368 = tpu.vector_load %arg7[%swap3A_367] {strides = array<i32>} : memref<2048xf32, #tpu.memory_space<vmem>>, vector<16xf32>,
    tpu.vector_store %arg7[%swap3A_367], %gather3A_366 {strides = array<i32>} : memref<2048xf32, #tpu.memory_space<vmem>>, vector<16xf32>,
    %add3A_369 = arith.addi %mul3A_348, %get3A_43 : vector<16xi32>
    %gather3A_370 = tpu.vector_load_idx %arg6[%add3A_369] : memref<65536xf32, #tpu.memory_space<vmem>>[vector<16xi32>], vector<16xf32>,
    %swap3A_371 = arith.constant 976 : index
    %swap3A_372 = tpu.vector_load %arg7[%swap3A_371] {strides = array<i32>} : memref<2048xf32, #tpu.memory_space<vmem>>, vector<16xf32>,
    tpu.vector_store %arg7[%swap3A_371], %gather3A_370 {strides = array<i32>} : memref<2048xf32, #tpu.memory_space<vmem>>, vector<16xf32>,
    %add3A_373 = arith.addi %mul3A_348, %get3A_45 : vector<16xi32>
    %gather3A_374 = tpu.vector_load_idx %arg6[%add3A_373] : memref<65536xf32, #tpu.memory_space<vmem>>[vector<16xi32>], vector<16xf32>,
    %swap3A_375 = arith.constant 992 : index
    %swap3A_376 = tpu.vector_load %arg7[%swap3A_375] {strides = array<i32>} : memref<2048xf32, #tpu.memory_space<vmem>>, vector<16xf32>,
    tpu.vector_store %arg7[%swap3A_375], %gather3A_374 {strides = array<i32>} : memref<2048xf32, #tpu.memory_space<vmem>>, vector<16xf32>,
    %add3A_377 = arith.addi %mul3A_348, %get3A_47 : vector<16xi32>
    %gather3A_378 = tpu.vector_load_idx %arg6[%add3A_377] : memref<65536xf32, #tpu.memory_space<vmem>>[vector<16xi32>], vector<16xf32>,
    %swap3A_379 = arith.constant 1008 : index
    %swap3A_380 = tpu.vector_load %arg7[%swap3A_379] {strides = array<i32>} : memref<2048xf32, #tpu.memory_space<vmem>>, vector<16xf32>,
    tpu.vector_store %arg7[%swap3A_379], %gather3A_378 {strides = array<i32>} : memref<2048xf32, #tpu.memory_space<vmem>>, vector<16xf32>,
    %broadcast_in_dim3A_381 = arith.constant 0 : i32
    %broadcast_in_dim3A_382 = vector.broadcast %broadcast_in_dim3A_381 : i32 to vector<16xi32>
    %add3A_383 = arith.constant 8 : i32
    %add3A_384 = arith.addi %mul3A_32, %add3A_383 : i32
    %add3A_385 = vector.broadcast %add3A_384 : i32 to vector<16xi32>
    %add3A_386 = arith.addi %broadcast_in_dim3A_382, %add3A_385 : vector<16xi32>
    %gather3A_387 = tpu.vector_load_idx %arg5[%add3A_386] : memref<128xi32, #tpu.memory_space<vmem>>[vector<16xi32>], vector<16xi32>,
    %mul3A_388 = arith.constant 256 : i32
    %mul3A_389 = vector.broadcast %mul3A_388 : i32 to vector<16xi32>
    %mul3A_390 = arith.muli %gather3A_387, %mul3A_389 : vector<16xi32>
    %add3A_391 = arith.addi %mul3A_390, %get3A_33 : vector<16xi32>
    %gather3A_392 = tpu.vector_load_idx %arg6[%add3A_391] : memref<65536xf32, #tpu.memory_space<vmem>>[vector<16xi32>], vector<16xf32>,
    %swap3A_393 = arith.constant 1024 : index
    %swap3A_394 = tpu.vector_load %arg7[%swap3A_393] {strides = array<i32>} : memref<2048xf32, #tpu.memory_space<vmem>>, vector<16xf32>,
    tpu.vector_store %arg7[%swap3A_393], %gather3A_392 {strides = array<i32>} : memref<2048xf32, #tpu.memory_space<vmem>>, vector<16xf32>,
    %add3A_395 = arith.addi %mul3A_390, %get3A_35 : vector<16xi32>
    %gather3A_396 = tpu.vector_load_idx %arg6[%add3A_395] : memref<65536xf32, #tpu.memory_space<vmem>>[vector<16xi32>], vector<16xf32>,
    %swap3A_397 = arith.constant 1040 : index
    %swap3A_398 = tpu.vector_load %arg7[%swap3A_397] {strides = array<i32>} : memref<2048xf32, #tpu.memory_space<vmem>>, vector<16xf32>,
    tpu.vector_store %arg7[%swap3A_397], %gather3A_396 {strides = array<i32>} : memref<2048xf32, #tpu.memory_space<vmem>>, vector<16xf32>,
    %add3A_399 = arith.addi %mul3A_390, %get3A_37 : vector<16xi32>
    %gather3A_400 = tpu.vector_load_idx %arg6[%add3A_399] : memref<65536xf32, #tpu.memory_space<vmem>>[vector<16xi32>], vector<16xf32>,
    %swap3A_401 = arith.constant 1056 : index
    %swap3A_402 = tpu.vector_load %arg7[%swap3A_401] {strides = array<i32>} : memref<2048xf32, #tpu.memory_space<vmem>>, vector<16xf32>,
    tpu.vector_store %arg7[%swap3A_401], %gather3A_400 {strides = array<i32>} : memref<2048xf32, #tpu.memory_space<vmem>>, vector<16xf32>,
    %add3A_403 = arith.addi %mul3A_390, %get3A_39 : vector<16xi32>
    %gather3A_404 = tpu.vector_load_idx %arg6[%add3A_403] : memref<65536xf32, #tpu.memory_space<vmem>>[vector<16xi32>], vector<16xf32>,
    %swap3A_405 = arith.constant 1072 : index
    %swap3A_406 = tpu.vector_load %arg7[%swap3A_405] {strides = array<i32>} : memref<2048xf32, #tpu.memory_space<vmem>>, vector<16xf32>,
    tpu.vector_store %arg7[%swap3A_405], %gather3A_404 {strides = array<i32>} : memref<2048xf32, #tpu.memory_space<vmem>>, vector<16xf32>,
    %add3A_407 = arith.addi %mul3A_390, %get3A_41 : vector<16xi32>
    %gather3A_408 = tpu.vector_load_idx %arg6[%add3A_407] : memref<65536xf32, #tpu.memory_space<vmem>>[vector<16xi32>], vector<16xf32>,
    %swap3A_409 = arith.constant 1088 : index
    %swap3A_410 = tpu.vector_load %arg7[%swap3A_409] {strides = array<i32>} : memref<2048xf32, #tpu.memory_space<vmem>>, vector<16xf32>,
    tpu.vector_store %arg7[%swap3A_409], %gather3A_408 {strides = array<i32>} : memref<2048xf32, #tpu.memory_space<vmem>>, vector<16xf32>,
    %add3A_411 = arith.addi %mul3A_390, %get3A_43 : vector<16xi32>
    %gather3A_412 = tpu.vector_load_idx %arg6[%add3A_411] : memref<65536xf32, #tpu.memory_space<vmem>>[vector<16xi32>], vector<16xf32>,
    %swap3A_413 = arith.constant 1104 : index
    %swap3A_414 = tpu.vector_load %arg7[%swap3A_413] {strides = array<i32>} : memref<2048xf32, #tpu.memory_space<vmem>>, vector<16xf32>,
    tpu.vector_store %arg7[%swap3A_413], %gather3A_412 {strides = array<i32>} : memref<2048xf32, #tpu.memory_space<vmem>>, vector<16xf32>,
    %add3A_415 = arith.addi %mul3A_390, %get3A_45 : vector<16xi32>
    %gather3A_416 = tpu.vector_load_idx %arg6[%add3A_415] : memref<65536xf32, #tpu.memory_space<vmem>>[vector<16xi32>], vector<16xf32>,
    %swap3A_417 = arith.constant 1120 : index
    %swap3A_418 = tpu.vector_load %arg7[%swap3A_417] {strides = array<i32>} : memref<2048xf32, #tpu.memory_space<vmem>>, vector<16xf32>,
    tpu.vector_store %arg7[%swap3A_417], %gather3A_416 {strides = array<i32>} : memref<2048xf32, #tpu.memory_space<vmem>>, vector<16xf32>,
    %add3A_419 = arith.addi %mul3A_390, %get3A_47 : vector<16xi32>
    %gather3A_420 = tpu.vector_load_idx %arg6[%add3A_419] : memref<65536xf32, #tpu.memory_space<vmem>>[vector<16xi32>], vector<16xf32>,
    %swap3A_421 = arith.constant 1136 : index
    %swap3A_422 = tpu.vector_load %arg7[%swap3A_421] {strides = array<i32>} : memref<2048xf32, #tpu.memory_space<vmem>>, vector<16xf32>,
    tpu.vector_store %arg7[%swap3A_421], %gather3A_420 {strides = array<i32>} : memref<2048xf32, #tpu.memory_space<vmem>>, vector<16xf32>,
    %broadcast_in_dim3A_423 = arith.constant 0 : i32
    %broadcast_in_dim3A_424 = vector.broadcast %broadcast_in_dim3A_423 : i32 to vector<16xi32>
    %add3A_425 = arith.constant 9 : i32
    %add3A_426 = arith.addi %mul3A_32, %add3A_425 : i32
    %add3A_427 = vector.broadcast %add3A_426 : i32 to vector<16xi32>
    %add3A_428 = arith.addi %broadcast_in_dim3A_424, %add3A_427 : vector<16xi32>
    %gather3A_429 = tpu.vector_load_idx %arg5[%add3A_428] : memref<128xi32, #tpu.memory_space<vmem>>[vector<16xi32>], vector<16xi32>,
    %mul3A_430 = arith.constant 256 : i32
    %mul3A_431 = vector.broadcast %mul3A_430 : i32 to vector<16xi32>
    %mul3A_432 = arith.muli %gather3A_429, %mul3A_431 : vector<16xi32>
    %add3A_433 = arith.addi %mul3A_432, %get3A_33 : vector<16xi32>
    %gather3A_434 = tpu.vector_load_idx %arg6[%add3A_433] : memref<65536xf32, #tpu.memory_space<vmem>>[vector<16xi32>], vector<16xf32>,
    %swap3A_435 = arith.constant 1152 : index
    %swap3A_436 = tpu.vector_load %arg7[%swap3A_435] {strides = array<i32>} : memref<2048xf32, #tpu.memory_space<vmem>>, vector<16xf32>,
    tpu.vector_store %arg7[%swap3A_435], %gather3A_434 {strides = array<i32>} : memref<2048xf32, #tpu.memory_space<vmem>>, vector<16xf32>,
    %add3A_437 = arith.addi %mul3A_432, %get3A_35 : vector<16xi32>
    %gather3A_438 = tpu.vector_load_idx %arg6[%add3A_437] : memref<65536xf32, #tpu.memory_space<vmem>>[vector<16xi32>], vector<16xf32>,
    %swap3A_439 = arith.constant 1168 : index
    %swap3A_440 = tpu.vector_load %arg7[%swap3A_439] {strides = array<i32>} : memref<2048xf32, #tpu.memory_space<vmem>>, vector<16xf32>,
    tpu.vector_store %arg7[%swap3A_439], %gather3A_438 {strides = array<i32>} : memref<2048xf32, #tpu.memory_space<vmem>>, vector<16xf32>,
    %add3A_441 = arith.addi %mul3A_432, %get3A_37 : vector<16xi32>
    %gather3A_442 = tpu.vector_load_idx %arg6[%add3A_441] : memref<65536xf32, #tpu.memory_space<vmem>>[vector<16xi32>], vector<16xf32>,
    %swap3A_443 = arith.constant 1184 : index
    %swap3A_444 = tpu.vector_load %arg7[%swap3A_443] {strides = array<i32>} : memref<2048xf32, #tpu.memory_space<vmem>>, vector<16xf32>,
    tpu.vector_store %arg7[%swap3A_443], %gather3A_442 {strides = array<i32>} : memref<2048xf32, #tpu.memory_space<vmem>>, vector<16xf32>,
    %add3A_445 = arith.addi %mul3A_432, %get3A_39 : vector<16xi32>
    %gather3A_446 = tpu.vector_load_idx %arg6[%add3A_445] : memref<65536xf32, #tpu.memory_space<vmem>>[vector<16xi32>], vector<16xf32>,
    %swap3A_447 = arith.constant 1200 : index
    %swap3A_448 = tpu.vector_load %arg7[%swap3A_447] {strides = array<i32>} : memref<2048xf32, #tpu.memory_space<vmem>>, vector<16xf32>,
    tpu.vector_store %arg7[%swap3A_447], %gather3A_446 {strides = array<i32>} : memref<2048xf32, #tpu.memory_space<vmem>>, vector<16xf32>,
    %add3A_449 = arith.addi %mul3A_432, %get3A_41 : vector<16xi32>
    %gather3A_450 = tpu.vector_load_idx %arg6[%add3A_449] : memref<65536xf32, #tpu.memory_space<vmem>>[vector<16xi32>], vector<16xf32>,
    %swap3A_451 = arith.constant 1216 : index
    %swap3A_452 = tpu.vector_load %arg7[%swap3A_451] {strides = array<i32>} : memref<2048xf32, #tpu.memory_space<vmem>>, vector<16xf32>,
    tpu.vector_store %arg7[%swap3A_451], %gather3A_450 {strides = array<i32>} : memref<2048xf32, #tpu.memory_space<vmem>>, vector<16xf32>,
    %add3A_453 = arith.addi %mul3A_432, %get3A_43 : vector<16xi32>
    %gather3A_454 = tpu.vector_load_idx %arg6[%add3A_453] : memref<65536xf32, #tpu.memory_space<vmem>>[vector<16xi32>], vector<16xf32>,
    %swap3A_455 = arith.constant 1232 : index
    %swap3A_456 = tpu.vector_load %arg7[%swap3A_455] {strides = array<i32>} : memref<2048xf32, #tpu.memory_space<vmem>>, vector<16xf32>,
    tpu.vector_store %arg7[%swap3A_455], %gather3A_454 {strides = array<i32>} : memref<2048xf32, #tpu.memory_space<vmem>>, vector<16xf32>,
    %add3A_457 = arith.addi %mul3A_432, %get3A_45 : vector<16xi32>
    %gather3A_458 = tpu.vector_load_idx %arg6[%add3A_457] : memref<65536xf32, #tpu.memory_space<vmem>>[vector<16xi32>], vector<16xf32>,
    %swap3A_459 = arith.constant 1248 : index
    %swap3A_460 = tpu.vector_load %arg7[%swap3A_459] {strides = array<i32>} : memref<2048xf32, #tpu.memory_space<vmem>>, vector<16xf32>,
    tpu.vector_store %arg7[%swap3A_459], %gather3A_458 {strides = array<i32>} : memref<2048xf32, #tpu.memory_space<vmem>>, vector<16xf32>,
    %add3A_461 = arith.addi %mul3A_432, %get3A_47 : vector<16xi32>
    %gather3A_462 = tpu.vector_load_idx %arg6[%add3A_461] : memref<65536xf32, #tpu.memory_space<vmem>>[vector<16xi32>], vector<16xf32>,
    %swap3A_463 = arith.constant 1264 : index
    %swap3A_464 = tpu.vector_load %arg7[%swap3A_463] {strides = array<i32>} : memref<2048xf32, #tpu.memory_space<vmem>>, vector<16xf32>,
    tpu.vector_store %arg7[%swap3A_463], %gather3A_462 {strides = array<i32>} : memref<2048xf32, #tpu.memory_space<vmem>>, vector<16xf32>,
    %broadcast_in_dim3A_465 = arith.constant 0 : i32
    %broadcast_in_dim3A_466 = vector.broadcast %broadcast_in_dim3A_465 : i32 to vector<16xi32>
    %add3A_467 = arith.constant 10 : i32
    %add3A_468 = arith.addi %mul3A_32, %add3A_467 : i32
    %add3A_469 = vector.broadcast %add3A_468 : i32 to vector<16xi32>
    %add3A_470 = arith.addi %broadcast_in_dim3A_466, %add3A_469 : vector<16xi32>
    %gather3A_471 = tpu.vector_load_idx %arg5[%add3A_470] : memref<128xi32, #tpu.memory_space<vmem>>[vector<16xi32>], vector<16xi32>,
    %mul3A_472 = arith.constant 256 : i32
    %mul3A_473 = vector.broadcast %mul3A_472 : i32 to vector<16xi32>
    %mul3A_474 = arith.muli %gather3A_471, %mul3A_473 : vector<16xi32>
    %add3A_475 = arith.addi %mul3A_474, %get3A_33 : vector<16xi32>
    %gather3A_476 = tpu.vector_load_idx %arg6[%add3A_475] : memref<65536xf32, #tpu.memory_space<vmem>>[vector<16xi32>], vector<16xf32>,
    %swap3A_477 = arith.constant 1280 : index
    %swap3A_478 = tpu.vector_load %arg7[%swap3A_477] {strides = array<i32>} : memref<2048xf32, #tpu.memory_space<vmem>>, vector<16xf32>,
    tpu.vector_store %arg7[%swap3A_477], %gather3A_476 {strides = array<i32>} : memref<2048xf32, #tpu.memory_space<vmem>>, vector<16xf32>,
    %add3A_479 = arith.addi %mul3A_474, %get3A_35 : vector<16xi32>
    %gather3A_480 = tpu.vector_load_idx %arg6[%add3A_479] : memref<65536xf32, #tpu.memory_space<vmem>>[vector<16xi32>], vector<16xf32>,
    %swap3A_481 = arith.constant 1296 : index
    %swap3A_482 = tpu.vector_load %arg7[%swap3A_481] {strides = array<i32>} : memref<2048xf32, #tpu.memory_space<vmem>>, vector<16xf32>,
    tpu.vector_store %arg7[%swap3A_481], %gather3A_480 {strides = array<i32>} : memref<2048xf32, #tpu.memory_space<vmem>>, vector<16xf32>,
    %add3A_483 = arith.addi %mul3A_474, %get3A_37 : vector<16xi32>
    %gather3A_484 = tpu.vector_load_idx %arg6[%add3A_483] : memref<65536xf32, #tpu.memory_space<vmem>>[vector<16xi32>], vector<16xf32>,
    %swap3A_485 = arith.constant 1312 : index
    %swap3A_486 = tpu.vector_load %arg7[%swap3A_485] {strides = array<i32>} : memref<2048xf32, #tpu.memory_space<vmem>>, vector<16xf32>,
    tpu.vector_store %arg7[%swap3A_485], %gather3A_484 {strides = array<i32>} : memref<2048xf32, #tpu.memory_space<vmem>>, vector<16xf32>,
    %add3A_487 = arith.addi %mul3A_474, %get3A_39 : vector<16xi32>
    %gather3A_488 = tpu.vector_load_idx %arg6[%add3A_487] : memref<65536xf32, #tpu.memory_space<vmem>>[vector<16xi32>], vector<16xf32>,
    %swap3A_489 = arith.constant 1328 : index
    %swap3A_490 = tpu.vector_load %arg7[%swap3A_489] {strides = array<i32>} : memref<2048xf32, #tpu.memory_space<vmem>>, vector<16xf32>,
    tpu.vector_store %arg7[%swap3A_489], %gather3A_488 {strides = array<i32>} : memref<2048xf32, #tpu.memory_space<vmem>>, vector<16xf32>,
    %add3A_491 = arith.addi %mul3A_474, %get3A_41 : vector<16xi32>
    %gather3A_492 = tpu.vector_load_idx %arg6[%add3A_491] : memref<65536xf32, #tpu.memory_space<vmem>>[vector<16xi32>], vector<16xf32>,
    %swap3A_493 = arith.constant 1344 : index
    %swap3A_494 = tpu.vector_load %arg7[%swap3A_493] {strides = array<i32>} : memref<2048xf32, #tpu.memory_space<vmem>>, vector<16xf32>,
    tpu.vector_store %arg7[%swap3A_493], %gather3A_492 {strides = array<i32>} : memref<2048xf32, #tpu.memory_space<vmem>>, vector<16xf32>,
    %add3A_495 = arith.addi %mul3A_474, %get3A_43 : vector<16xi32>
    %gather3A_496 = tpu.vector_load_idx %arg6[%add3A_495] : memref<65536xf32, #tpu.memory_space<vmem>>[vector<16xi32>], vector<16xf32>,
    %swap3A_497 = arith.constant 1360 : index
    %swap3A_498 = tpu.vector_load %arg7[%swap3A_497] {strides = array<i32>} : memref<2048xf32, #tpu.memory_space<vmem>>, vector<16xf32>,
    tpu.vector_store %arg7[%swap3A_497], %gather3A_496 {strides = array<i32>} : memref<2048xf32, #tpu.memory_space<vmem>>, vector<16xf32>,
    %add3A_499 = arith.addi %mul3A_474, %get3A_45 : vector<16xi32>
    %gather3A_500 = tpu.vector_load_idx %arg6[%add3A_499] : memref<65536xf32, #tpu.memory_space<vmem>>[vector<16xi32>], vector<16xf32>,
    %swap3A_501 = arith.constant 1376 : index
    %swap3A_502 = tpu.vector_load %arg7[%swap3A_501] {strides = array<i32>} : memref<2048xf32, #tpu.memory_space<vmem>>, vector<16xf32>,
    tpu.vector_store %arg7[%swap3A_501], %gather3A_500 {strides = array<i32>} : memref<2048xf32, #tpu.memory_space<vmem>>, vector<16xf32>,
    %add3A_503 = arith.addi %mul3A_474, %get3A_47 : vector<16xi32>
    %gather3A_504 = tpu.vector_load_idx %arg6[%add3A_503] : memref<65536xf32, #tpu.memory_space<vmem>>[vector<16xi32>], vector<16xf32>,
    %swap3A_505 = arith.constant 1392 : index
    %swap3A_506 = tpu.vector_load %arg7[%swap3A_505] {strides = array<i32>} : memref<2048xf32, #tpu.memory_space<vmem>>, vector<16xf32>,
    tpu.vector_store %arg7[%swap3A_505], %gather3A_504 {strides = array<i32>} : memref<2048xf32, #tpu.memory_space<vmem>>, vector<16xf32>,
    %broadcast_in_dim3A_507 = arith.constant 0 : i32
    %broadcast_in_dim3A_508 = vector.broadcast %broadcast_in_dim3A_507 : i32 to vector<16xi32>
    %add3A_509 = arith.constant 11 : i32
    %add3A_510 = arith.addi %mul3A_32, %add3A_509 : i32
    %add3A_511 = vector.broadcast %add3A_510 : i32 to vector<16xi32>
    %add3A_512 = arith.addi %broadcast_in_dim3A_508, %add3A_511 : vector<16xi32>
    %gather3A_513 = tpu.vector_load_idx %arg5[%add3A_512] : memref<128xi32, #tpu.memory_space<vmem>>[vector<16xi32>], vector<16xi32>,
    %mul3A_514 = arith.constant 256 : i32
    %mul3A_515 = vector.broadcast %mul3A_514 : i32 to vector<16xi32>
    %mul3A_516 = arith.muli %gather3A_513, %mul3A_515 : vector<16xi32>
    %add3A_517 = arith.addi %mul3A_516, %get3A_33 : vector<16xi32>
    %gather3A_518 = tpu.vector_load_idx %arg6[%add3A_517] : memref<65536xf32, #tpu.memory_space<vmem>>[vector<16xi32>], vector<16xf32>,
    %swap3A_519 = arith.constant 1408 : index
    %swap3A_520 = tpu.vector_load %arg7[%swap3A_519] {strides = array<i32>} : memref<2048xf32, #tpu.memory_space<vmem>>, vector<16xf32>,
    tpu.vector_store %arg7[%swap3A_519], %gather3A_518 {strides = array<i32>} : memref<2048xf32, #tpu.memory_space<vmem>>, vector<16xf32>,
    %add3A_521 = arith.addi %mul3A_516, %get3A_35 : vector<16xi32>
    %gather3A_522 = tpu.vector_load_idx %arg6[%add3A_521] : memref<65536xf32, #tpu.memory_space<vmem>>[vector<16xi32>], vector<16xf32>,
    %swap3A_523 = arith.constant 1424 : index
    %swap3A_524 = tpu.vector_load %arg7[%swap3A_523] {strides = array<i32>} : memref<2048xf32, #tpu.memory_space<vmem>>, vector<16xf32>,
    tpu.vector_store %arg7[%swap3A_523], %gather3A_522 {strides = array<i32>} : memref<2048xf32, #tpu.memory_space<vmem>>, vector<16xf32>,
    %add3A_525 = arith.addi %mul3A_516, %get3A_37 : vector<16xi32>
    %gather3A_526 = tpu.vector_load_idx %arg6[%add3A_525] : memref<65536xf32, #tpu.memory_space<vmem>>[vector<16xi32>], vector<16xf32>,
    %swap3A_527 = arith.constant 1440 : index
    %swap3A_528 = tpu.vector_load %arg7[%swap3A_527] {strides = array<i32>} : memref<2048xf32, #tpu.memory_space<vmem>>, vector<16xf32>,
    tpu.vector_store %arg7[%swap3A_527], %gather3A_526 {strides = array<i32>} : memref<2048xf32, #tpu.memory_space<vmem>>, vector<16xf32>,
    %add3A_529 = arith.addi %mul3A_516, %get3A_39 : vector<16xi32>
    %gather3A_530 = tpu.vector_load_idx %arg6[%add3A_529] : memref<65536xf32, #tpu.memory_space<vmem>>[vector<16xi32>], vector<16xf32>,
    %swap3A_531 = arith.constant 1456 : index
    %swap3A_532 = tpu.vector_load %arg7[%swap3A_531] {strides = array<i32>} : memref<2048xf32, #tpu.memory_space<vmem>>, vector<16xf32>,
    tpu.vector_store %arg7[%swap3A_531], %gather3A_530 {strides = array<i32>} : memref<2048xf32, #tpu.memory_space<vmem>>, vector<16xf32>,
    %add3A_533 = arith.addi %mul3A_516, %get3A_41 : vector<16xi32>
    %gather3A_534 = tpu.vector_load_idx %arg6[%add3A_533] : memref<65536xf32, #tpu.memory_space<vmem>>[vector<16xi32>], vector<16xf32>,
    %swap3A_535 = arith.constant 1472 : index
    %swap3A_536 = tpu.vector_load %arg7[%swap3A_535] {strides = array<i32>} : memref<2048xf32, #tpu.memory_space<vmem>>, vector<16xf32>,
    tpu.vector_store %arg7[%swap3A_535], %gather3A_534 {strides = array<i32>} : memref<2048xf32, #tpu.memory_space<vmem>>, vector<16xf32>,
    %add3A_537 = arith.addi %mul3A_516, %get3A_43 : vector<16xi32>
    %gather3A_538 = tpu.vector_load_idx %arg6[%add3A_537] : memref<65536xf32, #tpu.memory_space<vmem>>[vector<16xi32>], vector<16xf32>,
    %swap3A_539 = arith.constant 1488 : index
    %swap3A_540 = tpu.vector_load %arg7[%swap3A_539] {strides = array<i32>} : memref<2048xf32, #tpu.memory_space<vmem>>, vector<16xf32>,
    tpu.vector_store %arg7[%swap3A_539], %gather3A_538 {strides = array<i32>} : memref<2048xf32, #tpu.memory_space<vmem>>, vector<16xf32>,
    %add3A_541 = arith.addi %mul3A_516, %get3A_45 : vector<16xi32>
    %gather3A_542 = tpu.vector_load_idx %arg6[%add3A_541] : memref<65536xf32, #tpu.memory_space<vmem>>[vector<16xi32>], vector<16xf32>,
    %swap3A_543 = arith.constant 1504 : index
    %swap3A_544 = tpu.vector_load %arg7[%swap3A_543] {strides = array<i32>} : memref<2048xf32, #tpu.memory_space<vmem>>, vector<16xf32>,
    tpu.vector_store %arg7[%swap3A_543], %gather3A_542 {strides = array<i32>} : memref<2048xf32, #tpu.memory_space<vmem>>, vector<16xf32>,
    %add3A_545 = arith.addi %mul3A_516, %get3A_47 : vector<16xi32>
    %gather3A_546 = tpu.vector_load_idx %arg6[%add3A_545] : memref<65536xf32, #tpu.memory_space<vmem>>[vector<16xi32>], vector<16xf32>,
    %swap3A_547 = arith.constant 1520 : index
    %swap3A_548 = tpu.vector_load %arg7[%swap3A_547] {strides = array<i32>} : memref<2048xf32, #tpu.memory_space<vmem>>, vector<16xf32>,
    tpu.vector_store %arg7[%swap3A_547], %gather3A_546 {strides = array<i32>} : memref<2048xf32, #tpu.memory_space<vmem>>, vector<16xf32>,
    %broadcast_in_dim3A_549 = arith.constant 0 : i32
    %broadcast_in_dim3A_550 = vector.broadcast %broadcast_in_dim3A_549 : i32 to vector<16xi32>
    %add3A_551 = arith.constant 12 : i32
    %add3A_552 = arith.addi %mul3A_32, %add3A_551 : i32
    %add3A_553 = vector.broadcast %add3A_552 : i32 to vector<16xi32>
    %add3A_554 = arith.addi %broadcast_in_dim3A_550, %add3A_553 : vector<16xi32>
    %gather3A_555 = tpu.vector_load_idx %arg5[%add3A_554] : memref<128xi32, #tpu.memory_space<vmem>>[vector<16xi32>], vector<16xi32>,
    %mul3A_556 = arith.constant 256 : i32
    %mul3A_557 = vector.broadcast %mul3A_556 : i32 to vector<16xi32>
    %mul3A_558 = arith.muli %gather3A_555, %mul3A_557 : vector<16xi32>
    %add3A_559 = arith.addi %mul3A_558, %get3A_33 : vector<16xi32>
    %gather3A_560 = tpu.vector_load_idx %arg6[%add3A_559] : memref<65536xf32, #tpu.memory_space<vmem>>[vector<16xi32>], vector<16xf32>,
    %swap3A_561 = arith.constant 1536 : index
    %swap3A_562 = tpu.vector_load %arg7[%swap3A_561] {strides = array<i32>} : memref<2048xf32, #tpu.memory_space<vmem>>, vector<16xf32>,
    tpu.vector_store %arg7[%swap3A_561], %gather3A_560 {strides = array<i32>} : memref<2048xf32, #tpu.memory_space<vmem>>, vector<16xf32>,
    %add3A_563 = arith.addi %mul3A_558, %get3A_35 : vector<16xi32>
    %gather3A_564 = tpu.vector_load_idx %arg6[%add3A_563] : memref<65536xf32, #tpu.memory_space<vmem>>[vector<16xi32>], vector<16xf32>,
    %swap3A_565 = arith.constant 1552 : index
    %swap3A_566 = tpu.vector_load %arg7[%swap3A_565] {strides = array<i32>} : memref<2048xf32, #tpu.memory_space<vmem>>, vector<16xf32>,
    tpu.vector_store %arg7[%swap3A_565], %gather3A_564 {strides = array<i32>} : memref<2048xf32, #tpu.memory_space<vmem>>, vector<16xf32>,
    %add3A_567 = arith.addi %mul3A_558, %get3A_37 : vector<16xi32>
    %gather3A_568 = tpu.vector_load_idx %arg6[%add3A_567] : memref<65536xf32, #tpu.memory_space<vmem>>[vector<16xi32>], vector<16xf32>,
    %swap3A_569 = arith.constant 1568 : index
    %swap3A_570 = tpu.vector_load %arg7[%swap3A_569] {strides = array<i32>} : memref<2048xf32, #tpu.memory_space<vmem>>, vector<16xf32>,
    tpu.vector_store %arg7[%swap3A_569], %gather3A_568 {strides = array<i32>} : memref<2048xf32, #tpu.memory_space<vmem>>, vector<16xf32>,
    %add3A_571 = arith.addi %mul3A_558, %get3A_39 : vector<16xi32>
    %gather3A_572 = tpu.vector_load_idx %arg6[%add3A_571] : memref<65536xf32, #tpu.memory_space<vmem>>[vector<16xi32>], vector<16xf32>,
    %swap3A_573 = arith.constant 1584 : index
    %swap3A_574 = tpu.vector_load %arg7[%swap3A_573] {strides = array<i32>} : memref<2048xf32, #tpu.memory_space<vmem>>, vector<16xf32>,
    tpu.vector_store %arg7[%swap3A_573], %gather3A_572 {strides = array<i32>} : memref<2048xf32, #tpu.memory_space<vmem>>, vector<16xf32>,
    %add3A_575 = arith.addi %mul3A_558, %get3A_41 : vector<16xi32>
    %gather3A_576 = tpu.vector_load_idx %arg6[%add3A_575] : memref<65536xf32, #tpu.memory_space<vmem>>[vector<16xi32>], vector<16xf32>,
    %swap3A_577 = arith.constant 1600 : index
    %swap3A_578 = tpu.vector_load %arg7[%swap3A_577] {strides = array<i32>} : memref<2048xf32, #tpu.memory_space<vmem>>, vector<16xf32>,
    tpu.vector_store %arg7[%swap3A_577], %gather3A_576 {strides = array<i32>} : memref<2048xf32, #tpu.memory_space<vmem>>, vector<16xf32>,
    %add3A_579 = arith.addi %mul3A_558, %get3A_43 : vector<16xi32>
    %gather3A_580 = tpu.vector_load_idx %arg6[%add3A_579] : memref<65536xf32, #tpu.memory_space<vmem>>[vector<16xi32>], vector<16xf32>,
    %swap3A_581 = arith.constant 1616 : index
    %swap3A_582 = tpu.vector_load %arg7[%swap3A_581] {strides = array<i32>} : memref<2048xf32, #tpu.memory_space<vmem>>, vector<16xf32>,
    tpu.vector_store %arg7[%swap3A_581], %gather3A_580 {strides = array<i32>} : memref<2048xf32, #tpu.memory_space<vmem>>, vector<16xf32>,
    %add3A_583 = arith.addi %mul3A_558, %get3A_45 : vector<16xi32>
    %gather3A_584 = tpu.vector_load_idx %arg6[%add3A_583] : memref<65536xf32, #tpu.memory_space<vmem>>[vector<16xi32>], vector<16xf32>,
    %swap3A_585 = arith.constant 1632 : index
    %swap3A_586 = tpu.vector_load %arg7[%swap3A_585] {strides = array<i32>} : memref<2048xf32, #tpu.memory_space<vmem>>, vector<16xf32>,
    tpu.vector_store %arg7[%swap3A_585], %gather3A_584 {strides = array<i32>} : memref<2048xf32, #tpu.memory_space<vmem>>, vector<16xf32>,
    %add3A_587 = arith.addi %mul3A_558, %get3A_47 : vector<16xi32>
    %gather3A_588 = tpu.vector_load_idx %arg6[%add3A_587] : memref<65536xf32, #tpu.memory_space<vmem>>[vector<16xi32>], vector<16xf32>,
    %swap3A_589 = arith.constant 1648 : index
    %swap3A_590 = tpu.vector_load %arg7[%swap3A_589] {strides = array<i32>} : memref<2048xf32, #tpu.memory_space<vmem>>, vector<16xf32>,
    tpu.vector_store %arg7[%swap3A_589], %gather3A_588 {strides = array<i32>} : memref<2048xf32, #tpu.memory_space<vmem>>, vector<16xf32>,
    %broadcast_in_dim3A_591 = arith.constant 0 : i32
    %broadcast_in_dim3A_592 = vector.broadcast %broadcast_in_dim3A_591 : i32 to vector<16xi32>
    %add3A_593 = arith.constant 13 : i32
    %add3A_594 = arith.addi %mul3A_32, %add3A_593 : i32
    %add3A_595 = vector.broadcast %add3A_594 : i32 to vector<16xi32>
    %add3A_596 = arith.addi %broadcast_in_dim3A_592, %add3A_595 : vector<16xi32>
    %gather3A_597 = tpu.vector_load_idx %arg5[%add3A_596] : memref<128xi32, #tpu.memory_space<vmem>>[vector<16xi32>], vector<16xi32>,
    %mul3A_598 = arith.constant 256 : i32
    %mul3A_599 = vector.broadcast %mul3A_598 : i32 to vector<16xi32>
    %mul3A_600 = arith.muli %gather3A_597, %mul3A_599 : vector<16xi32>
    %add3A_601 = arith.addi %mul3A_600, %get3A_33 : vector<16xi32>
    %gather3A_602 = tpu.vector_load_idx %arg6[%add3A_601] : memref<65536xf32, #tpu.memory_space<vmem>>[vector<16xi32>], vector<16xf32>,
    %swap3A_603 = arith.constant 1664 : index
    %swap3A_604 = tpu.vector_load %arg7[%swap3A_603] {strides = array<i32>} : memref<2048xf32, #tpu.memory_space<vmem>>, vector<16xf32>,
    tpu.vector_store %arg7[%swap3A_603], %gather3A_602 {strides = array<i32>} : memref<2048xf32, #tpu.memory_space<vmem>>, vector<16xf32>,
    %add3A_605 = arith.addi %mul3A_600, %get3A_35 : vector<16xi32>
    %gather3A_606 = tpu.vector_load_idx %arg6[%add3A_605] : memref<65536xf32, #tpu.memory_space<vmem>>[vector<16xi32>], vector<16xf32>,
    %swap3A_607 = arith.constant 1680 : index
    %swap3A_608 = tpu.vector_load %arg7[%swap3A_607] {strides = array<i32>} : memref<2048xf32, #tpu.memory_space<vmem>>, vector<16xf32>,
    tpu.vector_store %arg7[%swap3A_607], %gather3A_606 {strides = array<i32>} : memref<2048xf32, #tpu.memory_space<vmem>>, vector<16xf32>,
    %add3A_609 = arith.addi %mul3A_600, %get3A_37 : vector<16xi32>
    %gather3A_610 = tpu.vector_load_idx %arg6[%add3A_609] : memref<65536xf32, #tpu.memory_space<vmem>>[vector<16xi32>], vector<16xf32>,
    %swap3A_611 = arith.constant 1696 : index
    %swap3A_612 = tpu.vector_load %arg7[%swap3A_611] {strides = array<i32>} : memref<2048xf32, #tpu.memory_space<vmem>>, vector<16xf32>,
    tpu.vector_store %arg7[%swap3A_611], %gather3A_610 {strides = array<i32>} : memref<2048xf32, #tpu.memory_space<vmem>>, vector<16xf32>,
    %add3A_613 = arith.addi %mul3A_600, %get3A_39 : vector<16xi32>
    %gather3A_614 = tpu.vector_load_idx %arg6[%add3A_613] : memref<65536xf32, #tpu.memory_space<vmem>>[vector<16xi32>], vector<16xf32>,
    %swap3A_615 = arith.constant 1712 : index
    %swap3A_616 = tpu.vector_load %arg7[%swap3A_615] {strides = array<i32>} : memref<2048xf32, #tpu.memory_space<vmem>>, vector<16xf32>,
    tpu.vector_store %arg7[%swap3A_615], %gather3A_614 {strides = array<i32>} : memref<2048xf32, #tpu.memory_space<vmem>>, vector<16xf32>,
    %add3A_617 = arith.addi %mul3A_600, %get3A_41 : vector<16xi32>
    %gather3A_618 = tpu.vector_load_idx %arg6[%add3A_617] : memref<65536xf32, #tpu.memory_space<vmem>>[vector<16xi32>], vector<16xf32>,
    %swap3A_619 = arith.constant 1728 : index
    %swap3A_620 = tpu.vector_load %arg7[%swap3A_619] {strides = array<i32>} : memref<2048xf32, #tpu.memory_space<vmem>>, vector<16xf32>,
    tpu.vector_store %arg7[%swap3A_619], %gather3A_618 {strides = array<i32>} : memref<2048xf32, #tpu.memory_space<vmem>>, vector<16xf32>,
    %add3A_621 = arith.addi %mul3A_600, %get3A_43 : vector<16xi32>
    %gather3A_622 = tpu.vector_load_idx %arg6[%add3A_621] : memref<65536xf32, #tpu.memory_space<vmem>>[vector<16xi32>], vector<16xf32>,
    %swap3A_623 = arith.constant 1744 : index
    %swap3A_624 = tpu.vector_load %arg7[%swap3A_623] {strides = array<i32>} : memref<2048xf32, #tpu.memory_space<vmem>>, vector<16xf32>,
    tpu.vector_store %arg7[%swap3A_623], %gather3A_622 {strides = array<i32>} : memref<2048xf32, #tpu.memory_space<vmem>>, vector<16xf32>,
    %add3A_625 = arith.addi %mul3A_600, %get3A_45 : vector<16xi32>
    %gather3A_626 = tpu.vector_load_idx %arg6[%add3A_625] : memref<65536xf32, #tpu.memory_space<vmem>>[vector<16xi32>], vector<16xf32>,
    %swap3A_627 = arith.constant 1760 : index
    %swap3A_628 = tpu.vector_load %arg7[%swap3A_627] {strides = array<i32>} : memref<2048xf32, #tpu.memory_space<vmem>>, vector<16xf32>,
    tpu.vector_store %arg7[%swap3A_627], %gather3A_626 {strides = array<i32>} : memref<2048xf32, #tpu.memory_space<vmem>>, vector<16xf32>,
    %add3A_629 = arith.addi %mul3A_600, %get3A_47 : vector<16xi32>
    %gather3A_630 = tpu.vector_load_idx %arg6[%add3A_629] : memref<65536xf32, #tpu.memory_space<vmem>>[vector<16xi32>], vector<16xf32>,
    %swap3A_631 = arith.constant 1776 : index
    %swap3A_632 = tpu.vector_load %arg7[%swap3A_631] {strides = array<i32>} : memref<2048xf32, #tpu.memory_space<vmem>>, vector<16xf32>,
    tpu.vector_store %arg7[%swap3A_631], %gather3A_630 {strides = array<i32>} : memref<2048xf32, #tpu.memory_space<vmem>>, vector<16xf32>,
    %broadcast_in_dim3A_633 = arith.constant 0 : i32
    %broadcast_in_dim3A_634 = vector.broadcast %broadcast_in_dim3A_633 : i32 to vector<16xi32>
    %add3A_635 = arith.constant 14 : i32
    %add3A_636 = arith.addi %mul3A_32, %add3A_635 : i32
    %add3A_637 = vector.broadcast %add3A_636 : i32 to vector<16xi32>
    %add3A_638 = arith.addi %broadcast_in_dim3A_634, %add3A_637 : vector<16xi32>
    %gather3A_639 = tpu.vector_load_idx %arg5[%add3A_638] : memref<128xi32, #tpu.memory_space<vmem>>[vector<16xi32>], vector<16xi32>,
    %mul3A_640 = arith.constant 256 : i32
    %mul3A_641 = vector.broadcast %mul3A_640 : i32 to vector<16xi32>
    %mul3A_642 = arith.muli %gather3A_639, %mul3A_641 : vector<16xi32>
    %add3A_643 = arith.addi %mul3A_642, %get3A_33 : vector<16xi32>
    %gather3A_644 = tpu.vector_load_idx %arg6[%add3A_643] : memref<65536xf32, #tpu.memory_space<vmem>>[vector<16xi32>], vector<16xf32>,
    %swap3A_645 = arith.constant 1792 : index
    %swap3A_646 = tpu.vector_load %arg7[%swap3A_645] {strides = array<i32>} : memref<2048xf32, #tpu.memory_space<vmem>>, vector<16xf32>,
    tpu.vector_store %arg7[%swap3A_645], %gather3A_644 {strides = array<i32>} : memref<2048xf32, #tpu.memory_space<vmem>>, vector<16xf32>,
    %add3A_647 = arith.addi %mul3A_642, %get3A_35 : vector<16xi32>
    %gather3A_648 = tpu.vector_load_idx %arg6[%add3A_647] : memref<65536xf32, #tpu.memory_space<vmem>>[vector<16xi32>], vector<16xf32>,
    %swap3A_649 = arith.constant 1808 : index
    %swap3A_650 = tpu.vector_load %arg7[%swap3A_649] {strides = array<i32>} : memref<2048xf32, #tpu.memory_space<vmem>>, vector<16xf32>,
    tpu.vector_store %arg7[%swap3A_649], %gather3A_648 {strides = array<i32>} : memref<2048xf32, #tpu.memory_space<vmem>>, vector<16xf32>,
    %add3A_651 = arith.addi %mul3A_642, %get3A_37 : vector<16xi32>
    %gather3A_652 = tpu.vector_load_idx %arg6[%add3A_651] : memref<65536xf32, #tpu.memory_space<vmem>>[vector<16xi32>], vector<16xf32>,
    %swap3A_653 = arith.constant 1824 : index
    %swap3A_654 = tpu.vector_load %arg7[%swap3A_653] {strides = array<i32>} : memref<2048xf32, #tpu.memory_space<vmem>>, vector<16xf32>,
    tpu.vector_store %arg7[%swap3A_653], %gather3A_652 {strides = array<i32>} : memref<2048xf32, #tpu.memory_space<vmem>>, vector<16xf32>,
    %add3A_655 = arith.addi %mul3A_642, %get3A_39 : vector<16xi32>
    %gather3A_656 = tpu.vector_load_idx %arg6[%add3A_655] : memref<65536xf32, #tpu.memory_space<vmem>>[vector<16xi32>], vector<16xf32>,
    %swap3A_657 = arith.constant 1840 : index
    %swap3A_658 = tpu.vector_load %arg7[%swap3A_657] {strides = array<i32>} : memref<2048xf32, #tpu.memory_space<vmem>>, vector<16xf32>,
    tpu.vector_store %arg7[%swap3A_657], %gather3A_656 {strides = array<i32>} : memref<2048xf32, #tpu.memory_space<vmem>>, vector<16xf32>,
    %add3A_659 = arith.addi %mul3A_642, %get3A_41 : vector<16xi32>
    %gather3A_660 = tpu.vector_load_idx %arg6[%add3A_659] : memref<65536xf32, #tpu.memory_space<vmem>>[vector<16xi32>], vector<16xf32>,
    %swap3A_661 = arith.constant 1856 : index
    %swap3A_662 = tpu.vector_load %arg7[%swap3A_661] {strides = array<i32>} : memref<2048xf32, #tpu.memory_space<vmem>>, vector<16xf32>,
    tpu.vector_store %arg7[%swap3A_661], %gather3A_660 {strides = array<i32>} : memref<2048xf32, #tpu.memory_space<vmem>>, vector<16xf32>,
    %add3A_663 = arith.addi %mul3A_642, %get3A_43 : vector<16xi32>
    %gather3A_664 = tpu.vector_load_idx %arg6[%add3A_663] : memref<65536xf32, #tpu.memory_space<vmem>>[vector<16xi32>], vector<16xf32>,
    %swap3A_665 = arith.constant 1872 : index
    %swap3A_666 = tpu.vector_load %arg7[%swap3A_665] {strides = array<i32>} : memref<2048xf32, #tpu.memory_space<vmem>>, vector<16xf32>,
    tpu.vector_store %arg7[%swap3A_665], %gather3A_664 {strides = array<i32>} : memref<2048xf32, #tpu.memory_space<vmem>>, vector<16xf32>,
    %add3A_667 = arith.addi %mul3A_642, %get3A_45 : vector<16xi32>
    %gather3A_668 = tpu.vector_load_idx %arg6[%add3A_667] : memref<65536xf32, #tpu.memory_space<vmem>>[vector<16xi32>], vector<16xf32>,
    %swap3A_669 = arith.constant 1888 : index
    %swap3A_670 = tpu.vector_load %arg7[%swap3A_669] {strides = array<i32>} : memref<2048xf32, #tpu.memory_space<vmem>>, vector<16xf32>,
    tpu.vector_store %arg7[%swap3A_669], %gather3A_668 {strides = array<i32>} : memref<2048xf32, #tpu.memory_space<vmem>>, vector<16xf32>,
    %add3A_671 = arith.addi %mul3A_642, %get3A_47 : vector<16xi32>
    %gather3A_672 = tpu.vector_load_idx %arg6[%add3A_671] : memref<65536xf32, #tpu.memory_space<vmem>>[vector<16xi32>], vector<16xf32>,
    %swap3A_673 = arith.constant 1904 : index
    %swap3A_674 = tpu.vector_load %arg7[%swap3A_673] {strides = array<i32>} : memref<2048xf32, #tpu.memory_space<vmem>>, vector<16xf32>,
    tpu.vector_store %arg7[%swap3A_673], %gather3A_672 {strides = array<i32>} : memref<2048xf32, #tpu.memory_space<vmem>>, vector<16xf32>,
    %broadcast_in_dim3A_675 = arith.constant 0 : i32
    %broadcast_in_dim3A_676 = vector.broadcast %broadcast_in_dim3A_675 : i32 to vector<16xi32>
    %add3A_677 = arith.constant 15 : i32
    %add3A_678 = arith.addi %mul3A_32, %add3A_677 : i32
    %add3A_679 = vector.broadcast %add3A_678 : i32 to vector<16xi32>
    %add3A_680 = arith.addi %broadcast_in_dim3A_676, %add3A_679 : vector<16xi32>
    %gather3A_681 = tpu.vector_load_idx %arg5[%add3A_680] : memref<128xi32, #tpu.memory_space<vmem>>[vector<16xi32>], vector<16xi32>,
    %mul3A_682 = arith.constant 256 : i32
    %mul3A_683 = vector.broadcast %mul3A_682 : i32 to vector<16xi32>
    %mul3A_684 = arith.muli %gather3A_681, %mul3A_683 : vector<16xi32>
    %add3A_685 = arith.addi %mul3A_684, %get3A_33 : vector<16xi32>
    %gather3A_686 = tpu.vector_load_idx %arg6[%add3A_685] : memref<65536xf32, #tpu.memory_space<vmem>>[vector<16xi32>], vector<16xf32>,
    %swap3A_687 = arith.constant 1920 : index
    %swap3A_688 = tpu.vector_load %arg7[%swap3A_687] {strides = array<i32>} : memref<2048xf32, #tpu.memory_space<vmem>>, vector<16xf32>,
    tpu.vector_store %arg7[%swap3A_687], %gather3A_686 {strides = array<i32>} : memref<2048xf32, #tpu.memory_space<vmem>>, vector<16xf32>,
    %add3A_689 = arith.addi %mul3A_684, %get3A_35 : vector<16xi32>
    %gather3A_690 = tpu.vector_load_idx %arg6[%add3A_689] : memref<65536xf32, #tpu.memory_space<vmem>>[vector<16xi32>], vector<16xf32>,
    %swap3A_691 = arith.constant 1936 : index
    %swap3A_692 = tpu.vector_load %arg7[%swap3A_691] {strides = array<i32>} : memref<2048xf32, #tpu.memory_space<vmem>>, vector<16xf32>,
    tpu.vector_store %arg7[%swap3A_691], %gather3A_690 {strides = array<i32>} : memref<2048xf32, #tpu.memory_space<vmem>>, vector<16xf32>,
    %add3A_693 = arith.addi %mul3A_684, %get3A_37 : vector<16xi32>
    %gather3A_694 = tpu.vector_load_idx %arg6[%add3A_693] : memref<65536xf32, #tpu.memory_space<vmem>>[vector<16xi32>], vector<16xf32>,
    %swap3A_695 = arith.constant 1952 : index
    %swap3A_696 = tpu.vector_load %arg7[%swap3A_695] {strides = array<i32>} : memref<2048xf32, #tpu.memory_space<vmem>>, vector<16xf32>,
    tpu.vector_store %arg7[%swap3A_695], %gather3A_694 {strides = array<i32>} : memref<2048xf32, #tpu.memory_space<vmem>>, vector<16xf32>,
    %add3A_697 = arith.addi %mul3A_684, %get3A_39 : vector<16xi32>
    %gather3A_698 = tpu.vector_load_idx %arg6[%add3A_697] : memref<65536xf32, #tpu.memory_space<vmem>>[vector<16xi32>], vector<16xf32>,
    %swap3A_699 = arith.constant 1968 : index
    %swap3A_700 = tpu.vector_load %arg7[%swap3A_699] {strides = array<i32>} : memref<2048xf32, #tpu.memory_space<vmem>>, vector<16xf32>,
    tpu.vector_store %arg7[%swap3A_699], %gather3A_698 {strides = array<i32>} : memref<2048xf32, #tpu.memory_space<vmem>>, vector<16xf32>,
    %add3A_701 = arith.addi %mul3A_684, %get3A_41 : vector<16xi32>
    %gather3A_702 = tpu.vector_load_idx %arg6[%add3A_701] : memref<65536xf32, #tpu.memory_space<vmem>>[vector<16xi32>], vector<16xf32>,
    %swap3A_703 = arith.constant 1984 : index
    %swap3A_704 = tpu.vector_load %arg7[%swap3A_703] {strides = array<i32>} : memref<2048xf32, #tpu.memory_space<vmem>>, vector<16xf32>,
    tpu.vector_store %arg7[%swap3A_703], %gather3A_702 {strides = array<i32>} : memref<2048xf32, #tpu.memory_space<vmem>>, vector<16xf32>,
    %add3A_705 = arith.addi %mul3A_684, %get3A_43 : vector<16xi32>
    %gather3A_706 = tpu.vector_load_idx %arg6[%add3A_705] : memref<65536xf32, #tpu.memory_space<vmem>>[vector<16xi32>], vector<16xf32>,
    %swap3A_707 = arith.constant 2000 : index
    %swap3A_708 = tpu.vector_load %arg7[%swap3A_707] {strides = array<i32>} : memref<2048xf32, #tpu.memory_space<vmem>>, vector<16xf32>,
    tpu.vector_store %arg7[%swap3A_707], %gather3A_706 {strides = array<i32>} : memref<2048xf32, #tpu.memory_space<vmem>>, vector<16xf32>,
    %add3A_709 = arith.addi %mul3A_684, %get3A_45 : vector<16xi32>
    %gather3A_710 = tpu.vector_load_idx %arg6[%add3A_709] : memref<65536xf32, #tpu.memory_space<vmem>>[vector<16xi32>], vector<16xf32>,
    %swap3A_711 = arith.constant 2016 : index
    %swap3A_712 = tpu.vector_load %arg7[%swap3A_711] {strides = array<i32>} : memref<2048xf32, #tpu.memory_space<vmem>>, vector<16xf32>,
    tpu.vector_store %arg7[%swap3A_711], %gather3A_710 {strides = array<i32>} : memref<2048xf32, #tpu.memory_space<vmem>>, vector<16xf32>,
    %add3A_713 = arith.addi %mul3A_684, %get3A_47 : vector<16xi32>
    %gather3A_714 = tpu.vector_load_idx %arg6[%add3A_713] : memref<65536xf32, #tpu.memory_space<vmem>>[vector<16xi32>], vector<16xf32>,
    %swap3A_715 = arith.constant 2032 : index
    %swap3A_716 = tpu.vector_load %arg7[%swap3A_715] {strides = array<i32>} : memref<2048xf32, #tpu.memory_space<vmem>>, vector<16xf32>,
    tpu.vector_store %arg7[%swap3A_715], %gather3A_714 {strides = array<i32>} : memref<2048xf32, #tpu.memory_space<vmem>>, vector<16xf32>,
    %mul3A_717 = arith.constant 128 : i32
    %mul3A_718 = arith.muli %select_n3A, %mul3A_717 : i32
    %add3A_719 = arith.addi %mul3A_718, %mul3A_32 : i32
    %mul3A_720 = arith.constant 128 : i32
    %mul3A_721 = arith.muli %add3A_719, %mul3A_720 : i32
    "tpu.region"() ({
      %run_scoped3A = tpu.sem_alloc : memref<!tpu.dma_semaphore, #tpu.memory_space<semaphore_mem>>
      %dma_start3A = tpu.memref_slice %arg4[%mul3A_721] : memref<65536xf32, #tpu.memory_space<hbm>> -> memref<2048xf32, #tpu.memory_space<hbm>>
      %dma_start3A_722 = tpu.memref_slice %arg4[%mul3A_721] : memref<65536xf32, #tpu.memory_space<hbm>> -> memref<2048xf32, #tpu.memory_space<hbm>>
      tpu.enqueue_dma source(%arg7 : memref<2048xf32, #tpu.memory_space<vmem>>) target(%dma_start3A_722 : memref<2048xf32, #tpu.memory_space<hbm>>) target_semaphore(%run_scoped3A : memref<!tpu.dma_semaphore, #tpu.memory_space<semaphore_mem>>)
      %dma_wait3A = tpu.memref_slice %arg4[%mul3A_721] : memref<65536xf32, #tpu.memory_space<hbm>> -> memref<2048xf32, #tpu.memory_space<hbm>>
      %dma_wait3A_723 = tpu.memref_slice %arg4[%mul3A_721] : memref<65536xf32, #tpu.memory_space<hbm>> -> memref<2048xf32, #tpu.memory_space<hbm>>
      tpu.wait_dma2 semaphore(%run_scoped3A : memref<!tpu.dma_semaphore, #tpu.memory_space<semaphore_mem>>) src(%arg7 : memref<2048xf32, #tpu.memory_space<vmem>>) dst(%dma_wait3A_723 : memref<2048xf32, #tpu.memory_space<hbm>>)
      tpu.yield
    }) : () -> ()
    return
  }
}

module attributes {stable_mosaic.version = 14 : i64} {
  func.func @_select_body(%arg0: memref<4x256xf32, #tpu.memory_space<vmem>>, %arg1: memref<4x128xf32, #tpu.memory_space<vmem>>, %arg2: memref<4x128xi32, #tpu.memory_space<vmem>>) attributes {dimension_semantics = [], scalar_prefetch = 0 : i64, scratch_operands = 0 : i64, tpu.core_type = #tpu.core_type<tc>} {
    %get3A = arith.constant 0 : index
    %get3A_0 = arith.constant 0 : index
    %get3A_1 = vector.load %arg0[%get3A, %get3A_0] : memref<4x256xf32, #tpu.memory_space<vmem>>, vector<4x256xf32>
    %broadcast_in_dim3A = vector.shape_cast %get3A_1 : vector<4x256xf32> to vector<4x256x1xf32>
    %broadcast_in_dim3A_2 = vector.shape_cast %get3A_1 : vector<4x256xf32> to vector<4x1x256xf32>
    %iota3A = tpu.iota {dimensions = array<i32: 1>} : vector<4x256x256xi32>
    %iota3A_3 = tpu.iota {dimensions = array<i32: 2>} : vector<4x256x256xi32>
    %gt3A = vector.broadcast %broadcast_in_dim3A : vector<4x256x1xf32> to vector<4x256x256xf32>
    %gt3A_4 = vector.broadcast %broadcast_in_dim3A_2 : vector<4x1x256xf32> to vector<4x256x256xf32>
    %gt3A_5 = arith.cmpf ogt, %gt3A, %gt3A_4 : vector<4x256x256xf32>
    %eq3A = vector.broadcast %broadcast_in_dim3A : vector<4x256x1xf32> to vector<4x256x256xf32>
    %eq3A_6 = vector.broadcast %broadcast_in_dim3A_2 : vector<4x1x256xf32> to vector<4x256x256xf32>
    %eq3A_7 = arith.cmpf oeq, %eq3A, %eq3A_6 : vector<4x256x256xf32>
    %lt3A = arith.cmpi slt, %iota3A, %iota3A_3 : vector<4x256x256xi32>
    %and3A = arith.andi %eq3A_7, %lt3A : vector<4x256x256xi1>
    %or3A = arith.ori %gt3A_5, %and3A : vector<4x256x256xi1>
    %convert_element_type3A = arith.extui %or3A : vector<4x256x256xi1> to vector<4x256x256xi32>
    %convert_element_type3A_8 = arith.sitofp %convert_element_type3A : vector<4x256x256xi32> to vector<4x256x256xf32>
    %reduce_sum3A = arith.constant dense<0.000000e+00> : vector<4x256xf32>
    %reduce_sum3A_9 = vector.multi_reduction <add>, %convert_element_type3A_8, %reduce_sum3A [1] : vector<4x256x256xf32> to vector<4x256xf32>
    %lt3A_10 = arith.constant 1.280000e+02 : f32
    %lt3A_11 = vector.broadcast %lt3A_10 : f32 to vector<4x256xf32>
    %lt3A_12 = arith.cmpf olt, %reduce_sum3A_9, %lt3A_11 : vector<4x256xf32>
    %convert_element_type3A_13 = arith.fptosi %reduce_sum3A_9 : vector<4x256xf32> to vector<4x256xi32>
    %iota3A_14 = tpu.iota {dimensions = array<i32: 2>} : vector<4x256x128xi32>
    %broadcast_in_dim3A_15 = vector.shape_cast %convert_element_type3A_13 : vector<4x256xi32> to vector<4x256x1xi32>
    %eq3A_16 = vector.broadcast %broadcast_in_dim3A_15 : vector<4x256x1xi32> to vector<4x256x128xi32>
    %eq3A_17 = arith.cmpi eq, %eq3A_16, %iota3A_14 : vector<4x256x128xi32>
    %broadcast_in_dim3A_18 = vector.shape_cast %get3A_1 : vector<4x256xf32> to vector<4x256x1xf32>
    %jit3A = arith.constant 0.000000e+00 : f32
    %broadcast_in_dim3A_19 = vector.shape_cast %broadcast_in_dim3A_18 : vector<4x256x1xf32> to vector<4x256x1xf32>
    %broadcast_in_dim3A_20 = vector.broadcast %broadcast_in_dim3A_19 : vector<4x256x1xf32> to vector<4x256x128xf32>
    %broadcast_in_dim3A_21 = vector.broadcast %jit3A : f32 to vector<4x256x128xf32>
    %select_n3A = arith.select %eq3A_17, %broadcast_in_dim3A_20, %broadcast_in_dim3A_21 : vector<4x256x128xi1>, vector<4x256x128xf32>
    %reduce_sum3A_22 = arith.constant dense<0.000000e+00> : vector<4x128xf32>
    %reduce_sum3A_23 = vector.multi_reduction <add>, %select_n3A, %reduce_sum3A_22 [1] : vector<4x256x128xf32> to vector<4x128xf32>
    %swap3A = arith.constant 0 : index
    %swap3A_24 = arith.constant 0 : index
    %swap3A_25 = vector.load %arg1[%swap3A, %swap3A_24] : memref<4x128xf32, #tpu.memory_space<vmem>>, vector<4x128xf32>
    tpu.vector_store %arg1[%swap3A, %swap3A_24], %reduce_sum3A_23 {strides = array<i32>} : memref<4x128xf32, #tpu.memory_space<vmem>>, vector<4x128xf32>,
    %iota3A_26 = tpu.iota {dimensions = array<i32: 0>} : vector<256x256xi32>
    %iota3A_27 = tpu.iota {dimensions = array<i32: 1>} : vector<256x256xi32>
    %le3A = arith.cmpi sle, %iota3A_26, %iota3A_27 : vector<256x256xi32>
    %convert_element_type3A_28 = arith.extui %le3A : vector<256x256xi1> to vector<256x256xi32>
    %convert_element_type3A_29 = arith.sitofp %convert_element_type3A_28 : vector<256x256xi32> to vector<256x256xf32>
    %convert_element_type3A_30 = arith.extui %lt3A_12 : vector<4x256xi1> to vector<4x256xi32>
    %convert_element_type3A_31 = arith.sitofp %convert_element_type3A_30 : vector<4x256xi32> to vector<4x256xf32>
    %dot_general3A = arith.constant dense<0.000000e+00> : vector<4x256xf32>
    %dot_general3A_32 = tpu.matmul %convert_element_type3A_31, %convert_element_type3A_29, %dot_general3A {dimension_numbers = #tpu.dot_dimension_numbers<[1], [0], [0], [1], [0, 0, 1, 1], [], []>, transpose_lhs_hint = false} : vector<4x256xf32>, vector<256x256xf32>, vector<4x256xf32> -> vector<4x256xf32>
    %convert_element_type3A_33 = arith.fptosi %dot_general3A_32 : vector<4x256xf32> to vector<4x256xi32>
    %sub3A = arith.constant 1 : i32
    %sub3A_34 = vector.broadcast %sub3A : i32 to vector<4x256xi32>
    %sub3A_35 = arith.subi %convert_element_type3A_33, %sub3A_34 : vector<4x256xi32>
    %iota3A_36 = tpu.iota {dimensions = array<i32: 2>} : vector<4x256x128xi32>
    %broadcast_in_dim3A_37 = vector.shape_cast %convert_element_type3A_13 : vector<4x256xi32> to vector<4x256x1xi32>
    %lt3A_38 = arith.constant 128 : i32
    %lt3A_39 = vector.broadcast %lt3A_38 : i32 to vector<4x256x1xi32>
    %lt3A_40 = arith.cmpi slt, %broadcast_in_dim3A_37, %lt3A_39 : vector<4x256x1xi32>
    %broadcast_in_dim3A_41 = vector.shape_cast %sub3A_35 : vector<4x256xi32> to vector<4x256x1xi32>
    %eq3A_42 = vector.broadcast %broadcast_in_dim3A_41 : vector<4x256x1xi32> to vector<4x256x128xi32>
    %eq3A_43 = arith.cmpi eq, %eq3A_42, %iota3A_36 : vector<4x256x128xi32>
    %and3A_44 = vector.broadcast %lt3A_40 : vector<4x256x1xi1> to vector<4x256x128xi1>
    %and3A_45 = arith.andi %and3A_44, %eq3A_43 : vector<4x256x128xi1>
    %iota3A_46 = tpu.iota {dimensions = array<i32: 1>} : vector<4x256x128xi32>
    %jit3A_47 = arith.constant 0 : i32
    %broadcast_in_dim3A_48 = vector.broadcast %jit3A_47 : i32 to vector<4x256x128xi32>
    %select_n3A_49 = arith.select %and3A_45, %iota3A_46, %broadcast_in_dim3A_48 : vector<4x256x128xi1>, vector<4x256x128xi32>
    %reduce_sum3A_50 = arith.constant dense<0> : vector<4x128xi32>
    %reduce_sum3A_51 = vector.multi_reduction <add>, %select_n3A_49, %reduce_sum3A_50 [1] : vector<4x256x128xi32> to vector<4x128xi32>
    %swap3A_52 = arith.constant 0 : index
    %swap3A_53 = arith.constant 0 : index
    %swap3A_54 = vector.load %arg2[%swap3A_52, %swap3A_53] : memref<4x128xi32, #tpu.memory_space<vmem>>, vector<4x128xi32>
    tpu.vector_store %arg2[%swap3A_52, %swap3A_53], %reduce_sum3A_51 {strides = array<i32>} : memref<4x128xi32, #tpu.memory_space<vmem>>, vector<4x128xi32>,
    return
  }
}

module attributes {stable_mosaic.version = 14 : i64} {
  func.func @_mean_body(%arg0: i32, %arg1: i32, %arg2: memref<1x32x64x256xf32, #tpu.memory_space<vmem>>, %arg3: memref<1x32x256xf32, #tpu.memory_space<vmem>>, %arg4: memref<1x32x64x256xbf16, #tpu.memory_space<vmem>>) attributes {dimension_semantics = [#tpu.dimension_semantics<arbitrary>, #tpu.dimension_semantics<arbitrary>], iteration_bounds = array<i64: 4, 8>, scalar_prefetch = 0 : i64, scratch_operands = 0 : i64, tpu.core_type = #tpu.core_type<tc>, window_params = [{transform_indices = @transform_0, window_bounds = array<i64: 1, 32, 64, 256>}, {transform_indices = @transform_1, window_bounds = array<i64: 1, 32, 256>}, {transform_indices = @transform_2, window_bounds = array<i64: 1, 32, 64, 256>}]} {
    %get3A = arith.constant 0 : index
    %get3A_0 = arith.constant 0 : index
    %get3A_1 = arith.constant 0 : index
    %get3A_2 = arith.constant 0 : index
    %get3A_3 = vector.load %arg2[%get3A, %get3A_0, %get3A_1, %get3A_2] : memref<1x32x64x256xf32, #tpu.memory_space<vmem>>, vector<1x32x64x256xf32>
    %get3A_4 = vector.shape_cast %get3A_3 : vector<1x32x64x256xf32> to vector<32x64x256xf32>
    %reduce_sum3A = arith.constant dense<0.000000e+00> : vector<32x256xf32>
    %reduce_sum3A_5 = vector.multi_reduction <add>, %get3A_4, %reduce_sum3A [1] : vector<32x64x256xf32> to vector<32x256xf32>
    %mul3A = arith.constant 1.562500e-02 : f32
    %mul3A_6 = vector.broadcast %mul3A : f32 to vector<32x256xf32>
    %mul3A_7 = arith.mulf %reduce_sum3A_5, %mul3A_6 : vector<32x256xf32>
    %swap3A = arith.constant 0 : index
    %swap3A_8 = arith.constant 0 : index
    %swap3A_9 = arith.constant 0 : index
    %swap3A_10 = vector.load %arg3[%swap3A, %swap3A_8, %swap3A_9] : memref<1x32x256xf32, #tpu.memory_space<vmem>>, vector<1x32x256xf32>
    %swap3A_11 = vector.shape_cast %swap3A_10 : vector<1x32x256xf32> to vector<32x256xf32>
    %swap3A_12 = vector.shape_cast %mul3A_7 : vector<32x256xf32> to vector<1x32x256xf32>
    tpu.vector_store %arg3[%swap3A, %swap3A_8, %swap3A_9], %swap3A_12 {strides = array<i32>} : memref<1x32x256xf32, #tpu.memory_space<vmem>>, vector<1x32x256xf32>,
    %convert_element_type3A = arith.truncf %get3A_4 : vector<32x64x256xf32> to vector<32x64x256xbf16>
    %swap3A_13 = arith.constant 0 : index
    %swap3A_14 = arith.constant 0 : index
    %swap3A_15 = arith.constant 0 : index
    %swap3A_16 = arith.constant 0 : index
    %swap3A_17 = vector.load %arg4[%swap3A_13, %swap3A_14, %swap3A_15, %swap3A_16] : memref<1x32x64x256xbf16, #tpu.memory_space<vmem>>, vector<1x32x64x256xbf16>
    %swap3A_18 = vector.shape_cast %swap3A_17 : vector<1x32x64x256xbf16> to vector<32x64x256xbf16>
    %swap3A_19 = vector.shape_cast %convert_element_type3A : vector<32x64x256xbf16> to vector<1x32x64x256xbf16>
    tpu.vector_store %arg4[%swap3A_13, %swap3A_14, %swap3A_15, %swap3A_16], %swap3A_19 {strides = array<i32>} : memref<1x32x64x256xbf16, #tpu.memory_space<vmem>>, vector<1x32x64x256xbf16>,
    return
  }
  func.func @transform_0(%arg0: i32, %arg1: i32) -> (i32, i32, i32, i32) {
    %c0_i32 = arith.constant 0 : i32
    %c0_i32_0 = arith.constant 0 : i32
    %c0_i32_1 = arith.constant 0 : i32
    return %arg0, %arg1, %c0_i32, %c0_i32_0 : i32, i32, i32, i32
  }
  func.func @transform_1(%arg0: i32, %arg1: i32) -> (i32, i32, i32) {
    %c0_i32 = arith.constant 0 : i32
    %c0_i32_0 = arith.constant 0 : i32
    return %arg0, %arg1, %c0_i32 : i32, i32, i32
  }
  func.func @transform_2(%arg0: i32, %arg1: i32) -> (i32, i32, i32, i32) {
    %c0_i32 = arith.constant 0 : i32
    %c0_i32_0 = arith.constant 0 : i32
    %c0_i32_1 = arith.constant 0 : i32
    return %arg0, %arg1, %c0_i32, %c0_i32_0 : i32, i32, i32, i32
  }
}

module attributes {stable_mosaic.version = 14 : i64} {
  func.func @_feature_body(%arg0: i32, %arg1: i32, %arg2: memref<1x1x128xi32, #tpu.memory_space<vmem>>, %arg3: memref<1x1x128xf32, #tpu.memory_space<vmem>>, %arg4: memref<1x1024x256xbf16, #tpu.memory_space<vmem>>, %arg5: memref<1x1024x128xf32, #tpu.memory_space<vmem>>) attributes {dimension_semantics = [#tpu.dimension_semantics<arbitrary>, #tpu.dimension_semantics<arbitrary>], iteration_bounds = array<i64: 4, 16>, scalar_prefetch = 0 : i64, scratch_operands = 0 : i64, tpu.core_type = #tpu.core_type<tc>, window_params = [{transform_indices = @transform_0, window_bounds = array<i64: 1, 1, 128>}, {transform_indices = @transform_1, window_bounds = array<i64: 1, 1, 128>}, {transform_indices = @transform_2, window_bounds = array<i64: 1, 1024, 256>}, {transform_indices = @transform_3, window_bounds = array<i64: 1, 1024, 128>}]} {
    %get3A = arith.constant 0 : index
    %get3A_0 = arith.constant 0 : index
    %get3A_1 = arith.constant 0 : index
    %get3A_2 = vector.load %arg4[%get3A, %get3A_0, %get3A_1] : memref<1x1024x256xbf16, #tpu.memory_space<vmem>>, vector<1x1024x256xbf16>
    %get3A_3 = vector.shape_cast %get3A_2 : vector<1x1024x256xbf16> to vector<1024x256xbf16>
    %get3A_4 = arith.constant 0 : index
    %get3A_5 = arith.constant 0 : index
    %get3A_6 = arith.constant 0 : index
    %get3A_7 = vector.load %arg2[%get3A_4, %get3A_5, %get3A_6] : memref<1x1x128xi32, #tpu.memory_space<vmem>>, vector<1x1x128xi32>
    %get3A_8 = vector.shape_cast %get3A_7 : vector<1x1x128xi32> to vector<128xi32>
    %get3A_9 = arith.constant 0 : index
    %get3A_10 = arith.constant 0 : index
    %get3A_11 = arith.constant 0 : index
    %get3A_12 = vector.load %arg3[%get3A_9, %get3A_10, %get3A_11] : memref<1x1x128xf32, #tpu.memory_space<vmem>>, vector<1x1x128xf32>
    %get3A_13 = vector.shape_cast %get3A_12 : vector<1x1x128xf32> to vector<128xf32>
    %iota3A = tpu.iota {dimensions = array<i32: 0>} : vector<256x128xi32>
    %broadcast_in_dim3A = vector.shape_cast %get3A_8 : vector<128xi32> to vector<1x128xi32>
    %eq3A = vector.broadcast %broadcast_in_dim3A : vector<1x128xi32> to vector<256x128xi32>
    %eq3A_14 = arith.cmpi eq, %iota3A, %eq3A : vector<256x128xi32>
    %broadcast_in_dim3A_15 = vector.shape_cast %get3A_13 : vector<128xf32> to vector<1x128xf32>
    %jit3A = arith.constant 0.000000e+00 : f32
    %broadcast_in_dim3A_16 = vector.shape_cast %broadcast_in_dim3A_15 : vector<1x128xf32> to vector<1x128xf32>
    %broadcast_in_dim3A_17 = vector.broadcast %broadcast_in_dim3A_16 : vector<1x128xf32> to vector<256x128xf32>
    %broadcast_in_dim3A_18 = vector.broadcast %jit3A : f32 to vector<256x128xf32>
    %select_n3A = arith.select %eq3A_14, %broadcast_in_dim3A_17, %broadcast_in_dim3A_18 : vector<256x128xi1>, vector<256x128xf32>
    %convert_element_type3A = arith.truncf %select_n3A : vector<256x128xf32> to vector<256x128xbf16>
    %dot_general3A = arith.constant dense<0.000000e+00> : vector<1024x128xf32>
    %dot_general3A_19 = tpu.matmul %get3A_3, %convert_element_type3A, %dot_general3A {dimension_numbers = #tpu.dot_dimension_numbers<[1], [0], [0], [1], [0, 0, 1, 1], [], []>, transpose_lhs_hint = false} : vector<1024x256xbf16>, vector<256x128xbf16>, vector<1024x128xf32> -> vector<1024x128xf32>
    %swap3A = arith.constant 0 : index
    %swap3A_20 = arith.constant 0 : index
    %swap3A_21 = arith.constant 0 : index
    %swap3A_22 = vector.load %arg5[%swap3A, %swap3A_20, %swap3A_21] : memref<1x1024x128xf32, #tpu.memory_space<vmem>>, vector<1x1024x128xf32>
    %swap3A_23 = vector.shape_cast %swap3A_22 : vector<1x1024x128xf32> to vector<1024x128xf32>
    %swap3A_24 = vector.shape_cast %dot_general3A_19 : vector<1024x128xf32> to vector<1x1024x128xf32>
    tpu.vector_store %arg5[%swap3A, %swap3A_20, %swap3A_21], %swap3A_24 {strides = array<i32>} : memref<1x1024x128xf32, #tpu.memory_space<vmem>>, vector<1x1024x128xf32>,
    return
  }
  func.func @transform_0(%arg0: i32, %arg1: i32) -> (i32, i32, i32) {
    %c0_i32 = arith.constant 0 : i32
    %c0_i32_0 = arith.constant 0 : i32
    %c0_i32_1 = arith.constant 0 : i32
    return %arg0, %c0_i32, %c0_i32_0 : i32, i32, i32
  }
  func.func @transform_1(%arg0: i32, %arg1: i32) -> (i32, i32, i32) {
    %c0_i32 = arith.constant 0 : i32
    %c0_i32_0 = arith.constant 0 : i32
    %c0_i32_1 = arith.constant 0 : i32
    return %arg0, %c0_i32, %c0_i32_0 : i32, i32, i32
  }
  func.func @transform_2(%arg0: i32, %arg1: i32) -> (i32, i32, i32) {
    %c0_i32 = arith.constant 0 : i32
    %c0_i32_0 = arith.constant 0 : i32
    return %arg0, %arg1, %c0_i32 : i32, i32, i32
  }
  func.func @transform_3(%arg0: i32, %arg1: i32) -> (i32, i32, i32) {
    %c0_i32 = arith.constant 0 : i32
    %c0_i32_0 = arith.constant 0 : i32
    return %arg0, %arg1, %c0_i32 : i32, i32, i32
  }
}

</mosaic_0001>

<sc_bundles>
// kernel: kernel.6.cloned.1.call-start
scs
__scs_entry_jumppad:
0x0: {  	(pc) =	sbr.rel $0x88, $3  }
0x1: {  	(tag) =	ssettag $0x0;
	lr =	simm.s32 $0x1  }
0x2: {  	[smem:$0x3F9D] =	sst lr;
	_ =	strace $0xD0000000  }
0x3: {  	_ = 	snop  }
0x4: {  	_ = 	snop  }
0x5: {  	_ = 	snop  }
0x6: {  	_ = 	snop  }
0x7: {  	_ = 	snop  }
__scs_overlays_trampoline_lowered:
0x8: {  	[smem:$0x3FAC] =	sst s0  }
0x9: {  	[smem:$0x3FAD] =	sst s1  }
0xa: {  	[smem:$0x3FAE] =	sst s2  }
0xb: {  	[smem:$0x3FAF] =	sst s3  }
0xc: {  	[smem:$0x3FB0] =	sst s4  }
0xd: {  	[smem:$0x3FB1] =	sst s5  }
0xe: {  	[smem:$0x3FB2] =	sst s6  }
0xf: {  	[smem:$0x3FB3] =	sst s7  }
0x10: {  	[smem:$0x3FB4] =	sst s8  }
0x11: {  	[smem:$0x3FB5] =	sst s9;
	s0 =	simm.s32 @!p0 $0x0  }
0x12: {  	s1 =	sld [smem:$0x3F9B];
	s0 =	simm.s32 @p0 $0x1  }
0x13: {  	[smem:$0x3FB6] =	sst s0;
	s0 =	simm.s32 @!p1 $0x0  }
0x14: {  	s2 =	sld [smem:$0x3F9A];
	s0 =	simm.s32 @p1 $0x1  }
0x15: {  	[smem:$0x3FB7] =	sst s0;
	s0 =	simm.s32 @!p2 $0x0  }
0x16: {  	s3 =	sld [smem:$0x3FDB];
	s0 =	simm.s32 @p2 $0x1  }
0x17: {  	s4 =	simm.s32 $0x1BF5;
	[smem:$0x3FB9] =	sst s0  }
0x18: {  	s0 =	sld [smem:$0x3F9C];
	_ =	swait.ge [sflag:s4], $0x0  }
0x19: {  	s7 =	sld [smem:$0x3F9D]  }
0x1a: {  	s8 =	sadd.s32 $0xFFFFE003, lr  }
0x1b: {  	s9 =	sadd.s32 $0xFFFFFEF7, lr;
	s5 =	simm.s32 $0xFFFFFFFF;
	p2 =	slt.u32 s8, $0xFFFFF086  }
0x1c: {  	p1 =	slt.u32 s9, $0xF7A;
	s5 =	simm.s32 @!p2 $0x0  }
0x1d: {  	s5 =	simm.s32 @p1 $0x1;
	p0 =	seq.s32 s7, s2  }
0x1e: {  	s7 =	smul.u32 @!p0 $0xF7A, s2;
	p2 =	seq.s32 @!p0 s5, $0x0  }
0x1f: {  	s9 =	smul.u32 $0xF7A, s1;
	s8 =	simm.s32 @!p0 $0x1BF5;
	p2 =	por !p2, p0  }
0x20: {  	[sflag:s8] =	ssyncset.s32 @!p0 $0xFFFFF086;
	s6 =	sadd.s32 @!p0 s3, s7;
	s7 =	simm.s32 @!p0 $0x108  }
0x21: {  	s3 =	sadd.s32 s3, s9;
	s6 =	sadd.s32 @!p0 $0x88, s6;
	s7 =	simm.s32 @p2 $0x1082  }
0x22: {  	[simem:s7], [sflag:s8] =	dma.local @!p0 [hbm:s6], $0xF7A  }
0x23: {  	s9 =	sor.u32 $0xD0000000, s2;
	s6 =	simm.s32 $0x108;
	_ =	swait.ge @!p0 [sflag:s8], $0x0  }
0x24: {  	s3 =	sadd.s32 $0x88, s3;
	s6 =	simm.s32 @!p1 $0x1082;
	[sflag:s4] =	ssyncset.s32 $0xFFFFF086  }
0x25: {  	[simem:s6], [sflag:s4] =	dma.local [hbm:s3], $0xF7A  }
0x26: {  	[smem:$0x3F9D] =	sst s1;
	(tag) =	ssettag s2;
	_ =	strace s9  }
0x27: {  	s1 =	sld [smem:$0x3FAD]  }
0x28: {  	s2 =	sld [smem:$0x3FAE]  }
0x29: {  	s4 =	sld [smem:$0x3FB0]  }
0x2a: {  	p0 =	seq.s32 s5, $0x0;
	s5 =	sld [smem:$0x3FB1]  }
0x2b: {  	s6 =	sld [smem:$0x3FB2]  }
0x2c: {  	s7 =	sld [smem:$0x3FB3]  }
0x2d: {  	s3 =	simm.s32 $0x108;
	s8 =	sld [smem:$0x3FB4]  }
0x2e: {  	s3 =	simm.s32 @!p0 $0x1082;
	s9 =	sld [smem:$0x3FB5]  }
0x2f: {  	lr =	sadd.s32 s0, s3;
	s0 =	sld [smem:$0x3FAC]  }
0x30: {  	s3 =	sld [smem:$0x3FAF]  }
0x31: {  	[smem:$0x3FB8] =	sst s10  }
0x32: {  	s10 =	sld [smem:$0x3FB6];
	_ =	sdelay $0x3  }
0x33: {  	p0 =	seq.s32 s10, $0x1;
	s10 =	sld [smem:$0x3FB8];
	_ =	sdelay $0x3  }
0x34: {  	[smem:$0x3FB8] =	sst s10  }
0x35: {  	s10 =	sld [smem:$0x3FB7];
	_ =	sdelay $0x3  }
0x36: {  	p1 =	seq.s32 s10, $0x1;
	s10 =	sld [smem:$0x3FB8];
	_ =	sdelay $0x3  }
0x37: {  	[smem:$0x3FB8] =	sst s10  }
0x38: {  	s10 =	sld [smem:$0x3FB9]  }
0x39: {  	_ = 	snop;
	(pc) =	sbr.ind lr, $3  }
0x3a: {  	_ = 	snop  }
0x3b: {  	_ = 	snop  }
0x3c: {  	p2 =	seq.s32 s10, $0x1;
	s10 =	sld [smem:$0x3FB8]  }
0x3d: {  	_ =	shalt  }
0x3e: {  	_ =	shalt  }
0x3f: {  	_ =	shalt  }
0x40: {  	_ =	shalt  }
0x41: {  	_ =	shalt  }
0x42: {  	_ =	shalt  }
0x43: {  	_ =	shalt  }
0x44: {  	_ =	shalt  }
0x45: {  	_ =	shalt  }
0x46: {  	_ =	shalt  }
0x47: {  	_ =	shalt  }
0x48: {  	_ =	shalt  }
0x49: {  	_ =	shalt  }
0x4a: {  	_ =	shalt  }
0x4b: {  	_ =	shalt  }
0x4c: {  	_ =	shalt  }
0x4d: {  	_ =	shalt  }
0x4e: {  	_ =	shalt  }
0x4f: {  	_ =	shalt  }
0x50: {  	_ =	shalt  }
0x51: {  	_ =	shalt  }
0x52: {  	_ =	shalt  }
0x53: {  	_ =	shalt  }
0x54: {  	_ =	shalt  }
0x55: {  	_ =	shalt  }
0x56: {  	_ =	shalt  }
0x57: {  	_ =	shalt  }
0x58: {  	_ =	shalt  }
0x59: {  	_ =	shalt  }
0x5a: {  	_ =	shalt  }
0x5b: {  	_ =	shalt  }
0x5c: {  	_ =	shalt  }
0x5d: {  	_ =	shalt  }
0x5e: {  	_ =	shalt  }
0x5f: {  	_ =	shalt  }
0x60: {  	_ =	shalt  }
0x61: {  	_ =	shalt  }
0x62: {  	_ =	shalt  }
0x63: {  	_ =	shalt  }
0x64: {  	_ =	shalt  }
0x65: {  	_ =	shalt  }
0x66: {  	_ =	shalt  }
0x67: {  	_ =	shalt  }
0x68: {  	_ =	shalt  }
0x69: {  	_ =	shalt  }
0x6a: {  	_ =	shalt  }
0x6b: {  	_ =	shalt  }
0x6c: {  	_ =	shalt  }
0x6d: {  	_ =	shalt  }
0x6e: {  	_ =	shalt  }
0x6f: {  	_ =	shalt  }
0x70: {  	_ =	shalt  }
0x71: {  	_ =	shalt  }
0x72: {  	_ =	shalt  }
0x73: {  	_ =	shalt  }
0x74: {  	_ =	shalt  }
0x75: {  	_ =	shalt  }
0x76: {  	_ =	shalt  }
0x77: {  	_ =	shalt  }
0x78: {  	_ =	shalt  }
0x79: {  	_ =	shalt  }
0x7a: {  	_ =	shalt  }
0x7b: {  	_ =	shalt  }
0x7c: {  	_ =	shalt  }
0x7d: {  	_ =	shalt  }
0x7e: {  	_ =	shalt  }
0x7f: {  	_ =	shalt  }
0x80: {  	_ =	shalt  }
0x81: {  	_ =	shalt  }
0x82: {  	_ =	shalt  }
0x83: {  	_ =	shalt  }
0x84: {  	_ =	shalt  }
0x85: {  	_ =	shalt  }
0x86: {  	_ =	shalt  }
0x87: {  	_ =	shalt  }
.Lfunc_end0:
.L_simem_size_0:
called_computation_lowered:
.L_overlay_start_0:
0x88: {  	s2 =	sld [smem:$0x3FD9]  }
0x89: {  	s3 =	sld [smem:$0x3FFE];
	_ =	sdelay $0x1  }
0x8a: {  	s1 =	srdreg.scid  }
0x8b: {  	s0 =	sand.u32 $0x1, s1  }
0x8c: {  	s14 =	sshll.u32 s0, $0xA;
	s2 =	sadd.s32 s3, s2  }
0x8d: {  	s2 =	sadd.s32 s2, s14  }
0x8e: {  	[smem:$0x3FC4] =	sst s2  }
0x8f: {  	_ = 	snop  }
0x90: {  	s2 =	sld [smem:$0x3FD0];
	_ =	sdelay $0x2  }
0x91: {  	s15 =	simm.s32 $0xA;
	s4 =	simm.s32 $0x10  }
0x92: {  	[smem:s4], [sflag:s15] =	dma.local [hbm:s2], $0x1  }
0x93: {  	_ =	swait.eq [sflag:s15], $0x1  }
0x94: {  	[sflag:s15] =	ssyncset.done $0x0  }
0x95: {  	s16 =	sld [smem:$0x10];
	[sflag:s15] =	ssyncadd.s32 $0xFFFFFFFF  }
0x96: {  	s17 =	sld [smem:$0x12];
	(tm) =	ssettm $0x1  }
0x97: {  	s18 =	sld [smem:$0x3FFB];
	_ =	sdelay $0x3  }
0x98: {  	_ =	strace s18  }
0x99: {  	s4 =	sld [smem:$0x3FFC];
	_ =	sdelay $0x3  }
0x9a: {  	_ =	strace s4  }
0x9b: {  	s4 =	sld [smem:$0x3FFD];
	_ =	sdelay $0x3  }
0x9c: {  	_ =	strace s4  }
0x9d: {  	_ =	strace $0x8FFFFFFF  }
0x9e: {  	s19 =	sld [smem:$0x3FDB];
	_ =	sdelay $0x1  }
0x9f: {  	s5 =	simm.s32 $_scs_section_size  }
0xa0: {  	s6 =	simm.s32 $_size__tile_overlayer_lowered;
	s7 =	simm.s32 $_tile_overlayer_lowered  }
0xa1: {  	s22 =	simm.s32 $0x1BFF;
	s21 =	sshll.u32 s7, $0x1;
	s4 =	sadd.s32 s5, s19  }
0xa2: {  	s8 =	simm.s32 $0x0;
	s20 =	sshll.u32 s6, $0x1;
	s6 =	sadd.s32 s21, s4  }
0xa3: {  	[timem:s8], [sflag:s22] =	dma.local [hbm:s6], s20  }
0xa4: {  	_ =	swait.ge [sflag:s22], s20  }
0xa5: {  	s5 =	ssub.s32 $0x0, s20;
	[sflag:s22] =	ssyncset.done $0x0  }
0xa6: {  	[sflag:s22] =	ssyncadd.s32 s5;
	_ =	sdelay $0x1  }
0xa7: {  	s23 =	simm.s32 $0x1B8B  }
0xa8: {  	_ =	swait.ge [sflag:s23], $0x1  }
0xa9: {  	[sflag:s23] =	ssyncset.done $0x0  }
0xaa: {  	s25 =	simm.s32 $0x1B8E;
	s24 =	sld [smem:$0x3FFE];
	[sflag:s23] =	ssyncadd.s32 $0xFFFFFFFF  }
0xab: {  	s26 =	simm.s32 $execute0_lowered;
	[smem:$0x3FD2] =	sst s25  }
0xac: {  	s6 =	sshll.u32 s26, $0x1;
	_ =	strace $0x80000046;
	[dreg:$0x1] =	wrdreg $0xFFFFFFFF  }
0xad: {  	s28 =	simm.s32 $_size_execute0_lowered;
	s4 =	sadd.s32 s4, s6;
	[dreg:$0x0] =	wrdreg $0x0  }
0xae: {  	s6 =	sshll.u32 s28, $0x1;
	[dreg:$0x2] =	wrdreg s4  }
0xaf: {  	[dreg:$0x3] =	wrdreg s6  }
0xb0: {  	[dreg:$0x4] =	wrdreg $0xC0  }
0xb1: {  	_ =	task [dreg:s8], $0x5FFFF  }
0xb2: {  	[dreg:$0x1] =	wrdreg $0xFFFFFFFF  }
0xb3: {  	[dreg:$0x0] =	wrdreg $0x60  }
0xb4: {  	[dreg:$0x2] =	wrdreg s24  }
0xb5: {  	[dreg:$0x3] =	wrdreg s17  }
0xb6: {  	[dreg:$0x4] =	wrdreg s16  }
0xb7: {  	[dreg:$0x5] =	wrdreg $0x9  }
0xb8: {  	_ =	task.clear_ibuf [dreg:s8], $0x6FFFF;
	_ =	strace $0x90000046  }
0xb9: {  	s29 =	simm.s32 $0x9;
	_ =	strace $0x80000048  }
0xba: {  	_ =	swait.ge [sflag:s29], $0x1  }
0xbb: {  	[sflag:s29] =	ssyncadd.s32 $0xFFFFFFFF  }
0xbc: {  	_ =	strace $0x90000048  }
0xbd: {  	_ =	sfence  }
0xbe: {  	s30 =	sld [smem:$0x0];
	_ =	sdelay $0x2  }
0xbf: {  	s31 =	sshll.u32 s1, $0xD;
	s1 =	sshrl.u32 s1, $0x2  }
0xc0: {  	s3 =	sand.u32 $0x4000, s31;
	s1 =	sadd.s32 s1, s30  }
0xc1: {  	s0 =	sor.u32 s3, s0;
	s1 =	sshll.u32 s1, $0x11  }
0xc2: {  	s0 =	sor.u32 s1, s0  }
0xc3: {  	s0 =	sadd.s32 $0x8F2B, s0  }
0xc4: {  	[sflag:s0] =	ssyncadd.remote.s32 $0x1  }
0xc5: {  	_ =	sfence.sel $0xFFFF  }
0xc6: {  	[dreg:$0x0] =	wrdreg $0xFFFFFFFF;
	(pc) =	sbr.abs _section_cstart, $3  }
0xc7: {  	[dreg:$0x1] =	wrdreg $0xFFFFFFFF  }
0xc8: {  	_ =	task.clear_ibuf [dreg:s8], $0x2FFFF;
	_ =	strace $0x9FFFFFFF  }
0xc9: {  	(tm) =	ssettm $0x7FFFFFFF  }
tec
execute0_lowered:
.L_overlay_start_1:
0x0: {  	(tag) =	ssettag $0x1  }
0x1: {  	s3 =	rddreg [dreg:$0x0]  }
0x2: {  	s4 =	rddreg [dreg:$0x1]  }
0x3: {  	s5 =	rddreg [dreg:$0x2]  }
0x4: {  	s0 =	rddreg [dreg:$0x3]  }
0x5: {  	s2 =	simm.s32 $0x0;
	s6 =	srdreg.scid;
	s1 =	stileid.u32  }
0x6: {  	[smem:$0x7FF] =	sst s2;
	s6 =	sand.u32 $0x1, s6;
	s7 =	sshrl.u32 s1, $0x2  }
0x7: {  	s9 =	sshll.u32 s1, $0x1;
	_ =	strace $0x80000047;
	s8 =	ssub.s32 $0x2, s6  }
0x8: {  	s10 =	sshll.u32 s7, $0x4;
	s9 =	sand.u32 $0x6, s9;
	s7 =	sshll.u32 s7, $0xB  }
0x9: {  	s11 =	sshrl.u32 s8, $0x1;
	s12 =	sadd.s32 s10, s3;
	s6 =	sor.u32 s6, s9  }
0xa: {  	s3 =	sadd.s32 s4, s10;
	s5 =	sadd.s32 s5, s7;
	s7 =	simm.s32 $0x1  }
0xb: {  	s10 =	simm.s32 $0x10080;
	s8 =	ssub.s32 s8, s11;
	s9 =	sshll.u32 s6, $0x4  }
0xc: {  	s4 =	sadd.s32 $0x100E00, s12;
	s31 =	sshllo.u32 s6, $0x4;
	s6 =	sshll.u32 s6, $0x8  }
0xd: {  	s22 =	sor.u32 $0x1, s9;
	s23 =	sor.u32 $0x2, s9;
	s24 =	sor.u32 $0x3, s9;
	v5 =	vmov s9  }
0xe: {  	s13 =	sor.u32 $0x4, s9;
	s14 =	sor.u32 $0x5, s9;
	s15 =	sor.u32 $0x6, s9;
	v15 =	vmov s31;
	v0 =	vmov s22;
	v1 =	vmov s23  }
0xf: {  	s25 =	sor.u32 $0x7, s9;
	s16 =	sor.u32 $0x8, s9;
	s17 =	sor.u32 $0x9, s9;
	v2 =	vmov s24;
	v3 =	vmov s13;
	v4 =	vmov s14  }
0x10: {  	s26 =	sor.u32 $0xA, s9;
	s28 =	sor.u32 $0xB, s9;
	s29 =	sor.u32 $0xC, s9;
	v6 =	vmov s15;
	v7 =	vmov s25;
	v8 =	vmov s16  }
0x11: {  	s30 =	sor.u32 $0xD, s9;
	s9 =	sor.u32 $0xE, s9;
	s5 =	sadd.s32 s6, s5;
	v9 =	vmov s17;
	v10 =	vmov s26;
	v11 =	vmov s28  }
0x12: {  	s6 =	smax.u32 s8, $0x1;
	s8 =	simm.s32 $0x200;
	v12 =	vmov s29;
	v13 =	vmov s30;
	v14 =	vmov s9;
	s9 =	simm.s32 $0x80  }
.LBB2_1:
0x13: {  	[tilespmem:s2], [sflag:$0x1] =	stream.linear.gather [hbm4b:s3+s2], $0x80, $0x38;
	[tilespmem:$0x10880] =	vst v63  }
0x14: {  	_ =	swait.ge [sflag:s7], $0x80  }
0x15: {  	[sflag:s7] =	ssyncset.done $0x0  }
0x16: {  	[sflag:s7] =	ssyncadd.s32 $0xFFFFFF80  }
0x17: {  	[tilespmem:s9], [sflag:$0x1] =	stream.strided.gather [hbm4b:s4+s9], $0x10000, s8, s9, $0x38;
	[tilespmem:$0x10880] =	vst v63  }
0x18: {  	_ =	swait.ge [sflag:s7], $0x10000  }
0x19: {  	[sflag:s7] =	ssyncset.done $0x0  }
0x1a: {  	[sflag:s7] =	ssyncadd.s32 $0xFFFF0000  }
0x1b: {  	v17 =	vld.idx.msk [tilespmem:v5+s2+$0x0], $0xffff  }
0x1c: {  	v16 =	vld [tilespmem:$0x0];
	_ =	sdelay $0x3  }
0x1d: {  	v24 =	vshll.u32 v17, $0x8  }
0x1e: {  	v18 =	vadd.s32 v16, v24  }
0x1f: {  	v17 =	vld [tilespmem:$0x10];
	_ =	sdelay $0x3  }
0x20: {  	v19 =	vld.idx.msk [tilespmem:v18+s9+$0x0], $0xffff  }
0x21: {  	v20 =	vadd.s32 v17, v24  }
0x22: {  	v18 =	vld [tilespmem:$0x20];
	_ =	sdelay $0x2  }
0x23: {  	[tilespmem:$0x10080] =	vst v19  }
0x24: {  	v20 =	vld.idx.msk [tilespmem:v20+s9+$0x0], $0xffff  }
0x25: {  	v21 =	vadd.s32 v18, v24  }
0x26: {  	v19 =	vld [tilespmem:$0x30];
	_ =	sdelay $0x2  }
0x27: {  	[tilespmem:$0x10090] =	vst v20  }
0x28: {  	v21 =	vld.idx.msk [tilespmem:v21+s9+$0x0], $0xffff  }
0x29: {  	v22 =	vadd.s32 v19, v24  }
0x2a: {  	v20 =	vld [tilespmem:$0x40];
	_ =	sdelay $0x2  }
0x2b: {  	[tilespmem:$0x100A0] =	vst v21  }
0x2c: {  	v22 =	vld.idx.msk [tilespmem:v22+s9+$0x0], $0xffff  }
0x2d: {  	v23 =	vadd.s32 v20, v24  }
0x2e: {  	v21 =	vld [tilespmem:$0x50];
	_ =	sdelay $0x2  }
0x2f: {  	[tilespmem:$0x100B0] =	vst v22  }
0x30: {  	v23 =	vld.idx.msk [tilespmem:v23+s9+$0x0], $0xffff  }
0x31: {  	v25 =	vadd.s32 v21, v24  }
0x32: {  	v22 =	vld [tilespmem:$0x60];
	_ =	sdelay $0x2  }
0x33: {  	[tilespmem:$0x100C0] =	vst v23  }
0x34: {  	v25 =	vld.idx.msk [tilespmem:v25+s9+$0x0], $0xffff  }
0x35: {  	v26 =	vadd.s32 v22, v24  }
0x36: {  	v23 =	vld [tilespmem:$0x70];
	_ =	sdelay $0x2  }
0x37: {  	[tilespmem:$0x100D0] =	vst v25  }
0x38: {  	v25 =	vld.idx.msk [tilespmem:v26+s9+$0x0], $0xffff  }
0x39: {  	v24 =	vadd.s32 v23, v24;
	_ =	sdelay $0x3  }
0x3a: {  	[tilespmem:$0x100E0] =	vst v25  }
0x3b: {  	v24 =	vld.idx.msk [tilespmem:v24+s9+$0x0], $0xffff;
	_ =	sdelay $0x4  }
0x3c: {  	[tilespmem:$0x100F0] =	vst v24  }
0x3d: {  	v24 =	vld.idx.msk [tilespmem:v0+s2+$0x0], $0xffff;
	_ =	sdelay $0x4  }
0x3e: {  	v24 =	vshll.u32 v24, $0x8  }
0x3f: {  	v38 =	vadd.s32 v16, v24;
	_ =	sdelay $0x4  }
0x40: {  	v25 =	vld.idx.msk [tilespmem:v38+s9+$0x0], $0xffff  }
0x41: {  	v39 =	vadd.s32 v17, v24;
	_ =	sdelay $0x3  }
0x42: {  	[tilespmem:$0x10100] =	vst v25  }
0x43: {  	v25 =	vld.idx.msk [tilespmem:v39+s9+$0x0], $0xffff  }
0x44: {  	v40 =	vadd.s32 v18, v24;
	_ =	sdelay $0x3  }
0x45: {  	[tilespmem:$0x10110] =	vst v25  }
0x46: {  	v25 =	vld.idx.msk [tilespmem:v40+s9+$0x0], $0xffff  }
0x47: {  	v41 =	vadd.s32 v19, v24;
	_ =	sdelay $0x3  }
0x48: {  	[tilespmem:$0x10120] =	vst v25  }
0x49: {  	v25 =	vld.idx.msk [tilespmem:v41+s9+$0x0], $0xffff  }
0x4a: {  	v42 =	vadd.s32 v20, v24;
	_ =	sdelay $0x3  }
0x4b: {  	[tilespmem:$0x10130] =	vst v25  }
0x4c: {  	v25 =	vld.idx.msk [tilespmem:v42+s9+$0x0], $0xffff  }
0x4d: {  	v43 =	vadd.s32 v21, v24;
	_ =	sdelay $0x3  }
0x4e: {  	[tilespmem:$0x10140] =	vst v25  }
0x4f: {  	v25 =	vld.idx.msk [tilespmem:v43+s9+$0x0], $0xffff  }
0x50: {  	v44 =	vadd.s32 v22, v24;
	_ =	sdelay $0x3  }
0x51: {  	[tilespmem:$0x10150] =	vst v25  }
0x52: {  	v25 =	vld.idx.msk [tilespmem:v44+s9+$0x0], $0xffff  }
0x53: {  	v24 =	vadd.s32 v23, v24;
	_ =	sdelay $0x3  }
0x54: {  	[tilespmem:$0x10160] =	vst v25  }
0x55: {  	v24 =	vld.idx.msk [tilespmem:v24+s9+$0x0], $0xffff;
	_ =	sdelay $0x4  }
0x56: {  	[tilespmem:$0x10170] =	vst v24  }
0x57: {  	v24 =	vld.idx.msk [tilespmem:v1+s2+$0x0], $0xffff;
	_ =	sdelay $0x4  }
0x58: {  	v24 =	vshll.u32 v24, $0x8  }
0x59: {  	v45 =	vadd.s32 v16, v24;
	_ =	sdelay $0x4  }
0x5a: {  	v25 =	vld.idx.msk [tilespmem:v45+s9+$0x0], $0xffff  }
0x5b: {  	v46 =	vadd.s32 v17, v24;
	_ =	sdelay $0x3  }
0x5c: {  	[tilespmem:$0x10180] =	vst v25  }
0x5d: {  	v25 =	vld.idx.msk [tilespmem:v46+s9+$0x0], $0xffff  }
0x5e: {  	v47 =	vadd.s32 v18, v24;
	_ =	sdelay $0x3  }
0x5f: {  	[tilespmem:$0x10190] =	vst v25  }
0x60: {  	v25 =	vld.idx.msk [tilespmem:v47+s9+$0x0], $0xffff  }
0x61: {  	v48 =	vadd.s32 v19, v24;
	_ =	sdelay $0x3  }
0x62: {  	[tilespmem:$0x101A0] =	vst v25  }
0x63: {  	v25 =	vld.idx.msk [tilespmem:v48+s9+$0x0], $0xffff  }
0x64: {  	v49 =	vadd.s32 v20, v24;
	_ =	sdelay $0x3  }
0x65: {  	[tilespmem:$0x101B0] =	vst v25  }
0x66: {  	v25 =	vld.idx.msk [tilespmem:v49+s9+$0x0], $0xffff  }
0x67: {  	v50 =	vadd.s32 v21, v24;
	_ =	sdelay $0x3  }
0x68: {  	[tilespmem:$0x101C0] =	vst v25  }
0x69: {  	v25 =	vld.idx.msk [tilespmem:v50+s9+$0x0], $0xffff  }
0x6a: {  	v51 =	vadd.s32 v22, v24;
	_ =	sdelay $0x3  }
0x6b: {  	[tilespmem:$0x101D0] =	vst v25  }
0x6c: {  	v25 =	vld.idx.msk [tilespmem:v51+s9+$0x0], $0xffff  }
0x6d: {  	v24 =	vadd.s32 v23, v24;
	_ =	sdelay $0x3  }
0x6e: {  	[tilespmem:$0x101E0] =	vst v25  }
0x6f: {  	v24 =	vld.idx.msk [tilespmem:v24+s9+$0x0], $0xffff;
	_ =	sdelay $0x4  }
0x70: {  	[tilespmem:$0x101F0] =	vst v24  }
0x71: {  	v24 =	vld.idx.msk [tilespmem:v2+s2+$0x0], $0xffff;
	_ =	sdelay $0x4  }
0x72: {  	v24 =	vshll.u32 v24, $0x8  }
0x73: {  	v52 =	vadd.s32 v16, v24;
	_ =	sdelay $0x4  }
0x74: {  	v25 =	vld.idx.msk [tilespmem:v52+s9+$0x0], $0xffff  }
0x75: {  	v53 =	vadd.s32 v17, v24;
	_ =	sdelay $0x3  }
0x76: {  	[tilespmem:$0x10200] =	vst v25  }
0x77: {  	v25 =	vld.idx.msk [tilespmem:v53+s9+$0x0], $0xffff  }
0x78: {  	v54 =	vadd.s32 v18, v24;
	_ =	sdelay $0x3  }
0x79: {  	[tilespmem:$0x10210] =	vst v25  }
0x7a: {  	v25 =	vld.idx.msk [tilespmem:v54+s9+$0x0], $0xffff  }
0x7b: {  	v55 =	vadd.s32 v19, v24;
	_ =	sdelay $0x3  }
0x7c: {  	[tilespmem:$0x10220] =	vst v25  }
0x7d: {  	v25 =	vld.idx.msk [tilespmem:v55+s9+$0x0], $0xffff  }
0x7e: {  	v56 =	vadd.s32 v20, v24;
	_ =	sdelay $0x3  }
0x7f: {  	[tilespmem:$0x10230] =	vst v25  }
0x80: {  	v25 =	vld.idx.msk [tilespmem:v56+s9+$0x0], $0xffff  }
0x81: {  	v57 =	vadd.s32 v21, v24;
	_ =	sdelay $0x3  }
0x82: {  	[tilespmem:$0x10240] =	vst v25  }
0x83: {  	v25 =	vld.idx.msk [tilespmem:v57+s9+$0x0], $0xffff  }
0x84: {  	v58 =	vadd.s32 v22, v24;
	_ =	sdelay $0x3  }
0x85: {  	[tilespmem:$0x10250] =	vst v25  }
0x86: {  	v25 =	vld.idx.msk [tilespmem:v58+s9+$0x0], $0xffff  }
0x87: {  	v24 =	vadd.s32 v23, v24;
	_ =	sdelay $0x3  }
0x88: {  	[tilespmem:$0x10260] =	vst v25  }
0x89: {  	v24 =	vld.idx.msk [tilespmem:v24+s9+$0x0], $0xffff;
	_ =	sdelay $0x4  }
0x8a: {  	[tilespmem:$0x10270] =	vst v24  }
0x8b: {  	v24 =	vld.idx.msk [tilespmem:v3+s2+$0x0], $0xffff;
	_ =	sdelay $0x4  }
0x8c: {  	v24 =	vshll.u32 v24, $0x8  }
0x8d: {  	v59 =	vadd.s32 v16, v24;
	_ =	sdelay $0x4  }
0x8e: {  	v25 =	vld.idx.msk [tilespmem:v59+s9+$0x0], $0xffff  }
0x8f: {  	v60 =	vadd.s32 v17, v24;
	_ =	sdelay $0x3  }
0x90: {  	[tilespmem:$0x10280] =	vst v25  }
0x91: {  	v25 =	vld.idx.msk [tilespmem:v60+s9+$0x0], $0xffff  }
0x92: {  	v61 =	vadd.s32 v18, v24;
	_ =	sdelay $0x3  }
0x93: {  	[tilespmem:$0x10290] =	vst v25  }
0x94: {  	v25 =	vld.idx.msk [tilespmem:v61+s9+$0x0], $0xffff  }
0x95: {  	v62 =	vadd.s32 v19, v24;
	_ =	sdelay $0x3  }
0x96: {  	[tilespmem:$0x102A0] =	vst v25  }
0x97: {  	v25 =	vld.idx.msk [tilespmem:v62+s9+$0x0], $0xffff  }
0x98: {  	v63 =	vadd.s32 v20, v24;
	_ =	sdelay $0x3  }
0x99: {  	[tilespmem:$0x102B0] =	vst v25  }
0x9a: {  	v25 =	vld.idx.msk [tilespmem:v63+s9+$0x0], $0xffff  }
0x9b: {  	v28 =	vadd.s32 v21, v24;
	_ =	sdelay $0x3  }
0x9c: {  	[tilespmem:$0x102C0] =	vst v25  }
0x9d: {  	v25 =	vld.idx.msk [tilespmem:v28+s9+$0x0], $0xffff  }
0x9e: {  	v29 =	vadd.s32 v22, v24;
	_ =	sdelay $0x3  }
0x9f: {  	[tilespmem:$0x102D0] =	vst v25  }
0xa0: {  	v25 =	vld.idx.msk [tilespmem:v29+s9+$0x0], $0xffff  }
0xa1: {  	v24 =	vadd.s32 v23, v24;
	_ =	sdelay $0x3  }
0xa2: {  	[tilespmem:$0x102E0] =	vst v25  }
0xa3: {  	v24 =	vld.idx.msk [tilespmem:v24+s9+$0x0], $0xffff;
	_ =	sdelay $0x4  }
0xa4: {  	[tilespmem:$0x102F0] =	vst v24  }
0xa5: {  	v24 =	vld.idx.msk [tilespmem:v4+s2+$0x0], $0xffff;
	_ =	sdelay $0x4  }
0xa6: {  	v24 =	vshll.u32 v24, $0x8  }
0xa7: {  	v30 =	vadd.s32 v16, v24;
	_ =	sdelay $0x4  }
0xa8: {  	v25 =	vld.idx.msk [tilespmem:v30+s9+$0x0], $0xffff  }
0xa9: {  	v31 =	vadd.s32 v17, v24;
	_ =	sdelay $0x3  }
0xaa: {  	[tilespmem:$0x10300] =	vst v25  }
0xab: {  	v25 =	vld.idx.msk [tilespmem:v31+s9+$0x0], $0xffff  }
0xac: {  	v32 =	vadd.s32 v18, v24;
	_ =	sdelay $0x3  }
0xad: {  	[tilespmem:$0x10310] =	vst v25  }
0xae: {  	v25 =	vld.idx.msk [tilespmem:v32+s9+$0x0], $0xffff  }
0xaf: {  	v33 =	vadd.s32 v19, v24;
	_ =	sdelay $0x3  }
0xb0: {  	[tilespmem:$0x10320] =	vst v25  }
0xb1: {  	v25 =	vld.idx.msk [tilespmem:v33+s9+$0x0], $0xffff  }
0xb2: {  	v34 =	vadd.s32 v20, v24;
	_ =	sdelay $0x3  }
0xb3: {  	[tilespmem:$0x10330] =	vst v25  }
0xb4: {  	v25 =	vld.idx.msk [tilespmem:v34+s9+$0x0], $0xffff  }
0xb5: {  	v35 =	vadd.s32 v21, v24;
	_ =	sdelay $0x3  }
0xb6: {  	[tilespmem:$0x10340] =	vst v25  }
0xb7: {  	v25 =	vld.idx.msk [tilespmem:v35+s9+$0x0], $0xffff  }
0xb8: {  	v36 =	vadd.s32 v22, v24;
	_ =	sdelay $0x3  }
0xb9: {  	[tilespmem:$0x10350] =	vst v25  }
0xba: {  	v25 =	vld.idx.msk [tilespmem:v36+s9+$0x0], $0xffff  }
0xbb: {  	v24 =	vadd.s32 v23, v24;
	_ =	sdelay $0x3  }
0xbc: {  	[tilespmem:$0x10360] =	vst v25  }
0xbd: {  	v24 =	vld.idx.msk [tilespmem:v24+s9+$0x0], $0xffff;
	_ =	sdelay $0x4  }
0xbe: {  	[tilespmem:$0x10370] =	vst v24  }
0xbf: {  	v24 =	vld.idx.msk [tilespmem:v6+s2+$0x0], $0xffff;
	_ =	sdelay $0x4  }
0xc0: {  	v24 =	vshll.u32 v24, $0x8  }
0xc1: {  	v37 =	vadd.s32 v16, v24;
	_ =	sdelay $0x4  }
0xc2: {  	v25 =	vld.idx.msk [tilespmem:v37+s9+$0x0], $0xffff  }
0xc3: {  	v38 =	vadd.s32 v17, v24;
	_ =	sdelay $0x3  }
0xc4: {  	[tilespmem:$0x10380] =	vst v25  }
0xc5: {  	v25 =	vld.idx.msk [tilespmem:v38+s9+$0x0], $0xffff  }
0xc6: {  	v39 =	vadd.s32 v18, v24;
	_ =	sdelay $0x3  }
0xc7: {  	[tilespmem:$0x10390] =	vst v25  }
0xc8: {  	v25 =	vld.idx.msk [tilespmem:v39+s9+$0x0], $0xffff  }
0xc9: {  	v40 =	vadd.s32 v19, v24;
	_ =	sdelay $0x3  }
0xca: {  	[tilespmem:$0x103A0] =	vst v25  }
0xcb: {  	v25 =	vld.idx.msk [tilespmem:v40+s9+$0x0], $0xffff  }
0xcc: {  	v41 =	vadd.s32 v20, v24;
	_ =	sdelay $0x3  }
0xcd: {  	[tilespmem:$0x103B0] =	vst v25  }
0xce: {  	v25 =	vld.idx.msk [tilespmem:v41+s9+$0x0], $0xffff  }
0xcf: {  	v42 =	vadd.s32 v21, v24;
	_ =	sdelay $0x3  }
0xd0: {  	[tilespmem:$0x103C0] =	vst v25  }
0xd1: {  	v25 =	vld.idx.msk [tilespmem:v42+s9+$0x0], $0xffff  }
0xd2: {  	v43 =	vadd.s32 v22, v24;
	_ =	sdelay $0x3  }
0xd3: {  	[tilespmem:$0x103D0] =	vst v25  }
0xd4: {  	v25 =	vld.idx.msk [tilespmem:v43+s9+$0x0], $0xffff  }
0xd5: {  	v24 =	vadd.s32 v23, v24;
	_ =	sdelay $0x3  }
0xd6: {  	[tilespmem:$0x103E0] =	vst v25  }
0xd7: {  	v24 =	vld.idx.msk [tilespmem:v24+s9+$0x0], $0xffff;
	_ =	sdelay $0x4  }
0xd8: {  	[tilespmem:$0x103F0] =	vst v24  }
0xd9: {  	v24 =	vld.idx.msk [tilespmem:v7+s2+$0x0], $0xffff;
	_ =	sdelay $0x4  }
0xda: {  	v24 =	vshll.u32 v24, $0x8  }
0xdb: {  	v44 =	vadd.s32 v16, v24;
	_ =	sdelay $0x4  }
0xdc: {  	v25 =	vld.idx.msk [tilespmem:v44+s9+$0x0], $0xffff  }
0xdd: {  	v45 =	vadd.s32 v17, v24;
	_ =	sdelay $0x3  }
0xde: {  	[tilespmem:$0x10400] =	vst v25  }
0xdf: {  	v25 =	vld.idx.msk [tilespmem:v45+s9+$0x0], $0xffff  }
0xe0: {  	v46 =	vadd.s32 v18, v24;
	_ =	sdelay $0x3  }
0xe1: {  	[tilespmem:$0x10410] =	vst v25  }
0xe2: {  	v25 =	vld.idx.msk [tilespmem:v46+s9+$0x0], $0xffff  }
0xe3: {  	v47 =	vadd.s32 v19, v24;
	_ =	sdelay $0x3  }
0xe4: {  	[tilespmem:$0x10420] =	vst v25  }
0xe5: {  	v25 =	vld.idx.msk [tilespmem:v47+s9+$0x0], $0xffff  }
0xe6: {  	v48 =	vadd.s32 v20, v24;
	_ =	sdelay $0x3  }
0xe7: {  	[tilespmem:$0x10430] =	vst v25  }
0xe8: {  	v25 =	vld.idx.msk [tilespmem:v48+s9+$0x0], $0xffff  }
0xe9: {  	v49 =	vadd.s32 v21, v24;
	_ =	sdelay $0x3  }
0xea: {  	[tilespmem:$0x10440] =	vst v25  }
0xeb: {  	v25 =	vld.idx.msk [tilespmem:v49+s9+$0x0], $0xffff  }
0xec: {  	v50 =	vadd.s32 v22, v24;
	_ =	sdelay $0x3  }
0xed: {  	[tilespmem:$0x10450] =	vst v25  }
0xee: {  	v25 =	vld.idx.msk [tilespmem:v50+s9+$0x0], $0xffff  }
0xef: {  	v24 =	vadd.s32 v23, v24;
	_ =	sdelay $0x3  }
0xf0: {  	[tilespmem:$0x10460] =	vst v25  }
0xf1: {  	v24 =	vld.idx.msk [tilespmem:v24+s9+$0x0], $0xffff;
	_ =	sdelay $0x4  }
0xf2: {  	[tilespmem:$0x10470] =	vst v24  }
0xf3: {  	v24 =	vld.idx.msk [tilespmem:v8+s2+$0x0], $0xffff;
	_ =	sdelay $0x4  }
0xf4: {  	v24 =	vshll.u32 v24, $0x8  }
0xf5: {  	v51 =	vadd.s32 v16, v24;
	_ =	sdelay $0x4  }
0xf6: {  	v25 =	vld.idx.msk [tilespmem:v51+s9+$0x0], $0xffff  }
0xf7: {  	v52 =	vadd.s32 v17, v24;
	_ =	sdelay $0x3  }
0xf8: {  	[tilespmem:$0x10480] =	vst v25  }
0xf9: {  	v25 =	vld.idx.msk [tilespmem:v52+s9+$0x0], $0xffff  }
0xfa: {  	v53 =	vadd.s32 v18, v24;
	_ =	sdelay $0x3  }
0xfb: {  	[tilespmem:$0x10490] =	vst v25  }
0xfc: {  	v25 =	vld.idx.msk [tilespmem:v53+s9+$0x0], $0xffff  }
0xfd: {  	v54 =	vadd.s32 v19, v24;
	_ =	sdelay $0x3  }
0xfe: {  	[tilespmem:$0x104A0] =	vst v25  }
0xff: {  	v25 =	vld.idx.msk [tilespmem:v54+s9+$0x0], $0xffff  }
0x100: {  	v55 =	vadd.s32 v20, v24;
	_ =	sdelay $0x3  }
0x101: {  	[tilespmem:$0x104B0] =	vst v25  }
0x102: {  	v25 =	vld.idx.msk [tilespmem:v55+s9+$0x0], $0xffff  }
0x103: {  	v56 =	vadd.s32 v21, v24;
	_ =	sdelay $0x3  }
0x104: {  	[tilespmem:$0x104C0] =	vst v25  }
0x105: {  	v25 =	vld.idx.msk [tilespmem:v56+s9+$0x0], $0xffff  }
0x106: {  	v57 =	vadd.s32 v22, v24;
	_ =	sdelay $0x3  }
0x107: {  	[tilespmem:$0x104D0] =	vst v25  }
0x108: {  	v25 =	vld.idx.msk [tilespmem:v57+s9+$0x0], $0xffff  }
0x109: {  	v24 =	vadd.s32 v23, v24;
	_ =	sdelay $0x3  }
0x10a: {  	[tilespmem:$0x104E0] =	vst v25  }
0x10b: {  	v24 =	vld.idx.msk [tilespmem:v24+s9+$0x0], $0xffff;
	_ =	sdelay $0x4  }
0x10c: {  	[tilespmem:$0x104F0] =	vst v24  }
0x10d: {  	v24 =	vld.idx.msk [tilespmem:v9+s2+$0x0], $0xffff;
	_ =	sdelay $0x4  }
0x10e: {  	v24 =	vshll.u32 v24, $0x8  }
0x10f: {  	v58 =	vadd.s32 v16, v24;
	_ =	sdelay $0x4  }
0x110: {  	v25 =	vld.idx.msk [tilespmem:v58+s9+$0x0], $0xffff  }
0x111: {  	v59 =	vadd.s32 v17, v24;
	_ =	sdelay $0x3  }
0x112: {  	[tilespmem:$0x10500] =	vst v25  }
0x113: {  	v25 =	vld.idx.msk [tilespmem:v59+s9+$0x0], $0xffff  }
0x114: {  	v60 =	vadd.s32 v18, v24;
	_ =	sdelay $0x3  }
0x115: {  	[tilespmem:$0x10510] =	vst v25  }
0x116: {  	v25 =	vld.idx.msk [tilespmem:v60+s9+$0x0], $0xffff  }
0x117: {  	v61 =	vadd.s32 v19, v24;
	_ =	sdelay $0x3  }
0x118: {  	[tilespmem:$0x10520] =	vst v25  }
0x119: {  	v25 =	vld.idx.msk [tilespmem:v61+s9+$0x0], $0xffff  }
0x11a: {  	v62 =	vadd.s32 v20, v24;
	_ =	sdelay $0x3  }
0x11b: {  	[tilespmem:$0x10530] =	vst v25  }
0x11c: {  	v25 =	vld.idx.msk [tilespmem:v62+s9+$0x0], $0xffff  }
0x11d: {  	v63 =	vadd.s32 v21, v24;
	_ =	sdelay $0x3  }
0x11e: {  	[tilespmem:$0x10540] =	vst v25  }
0x11f: {  	v25 =	vld.idx.msk [tilespmem:v63+s9+$0x0], $0xffff  }
0x120: {  	v28 =	vadd.s32 v22, v24;
	_ =	sdelay $0x3  }
0x121: {  	[tilespmem:$0x10550] =	vst v25  }
0x122: {  	v25 =	vld.idx.msk [tilespmem:v28+s9+$0x0], $0xffff  }
0x123: {  	v24 =	vadd.s32 v23, v24;
	_ =	sdelay $0x3  }
0x124: {  	[tilespmem:$0x10560] =	vst v25  }
0x125: {  	v24 =	vld.idx.msk [tilespmem:v24+s9+$0x0], $0xffff;
	_ =	sdelay $0x4  }
0x126: {  	[tilespmem:$0x10570] =	vst v24  }
0x127: {  	v24 =	vld.idx.msk [tilespmem:v10+s2+$0x0], $0xffff;
	_ =	sdelay $0x4  }
0x128: {  	v24 =	vshll.u32 v24, $0x8  }
0x129: {  	v29 =	vadd.s32 v16, v24;
	_ =	sdelay $0x4  }
0x12a: {  	v25 =	vld.idx.msk [tilespmem:v29+s9+$0x0], $0xffff  }
0x12b: {  	v30 =	vadd.s32 v17, v24;
	_ =	sdelay $0x3  }
0x12c: {  	[tilespmem:$0x10580] =	vst v25  }
0x12d: {  	v25 =	vld.idx.msk [tilespmem:v30+s9+$0x0], $0xffff  }
0x12e: {  	v31 =	vadd.s32 v18, v24;
	_ =	sdelay $0x3  }
0x12f: {  	[tilespmem:$0x10590] =	vst v25  }
0x130: {  	v25 =	vld.idx.msk [tilespmem:v31+s9+$0x0], $0xffff  }
0x131: {  	v32 =	vadd.s32 v19, v24;
	_ =	sdelay $0x3  }
0x132: {  	[tilespmem:$0x105A0] =	vst v25  }
0x133: {  	v25 =	vld.idx.msk [tilespmem:v32+s9+$0x0], $0xffff  }
0x134: {  	v33 =	vadd.s32 v20, v24;
	_ =	sdelay $0x3  }
0x135: {  	[tilespmem:$0x105B0] =	vst v25  }
0x136: {  	v25 =	vld.idx.msk [tilespmem:v33+s9+$0x0], $0xffff  }
0x137: {  	v34 =	vadd.s32 v21, v24;
	_ =	sdelay $0x3  }
0x138: {  	[tilespmem:$0x105C0] =	vst v25  }
0x139: {  	v25 =	vld.idx.msk [tilespmem:v34+s9+$0x0], $0xffff  }
0x13a: {  	v35 =	vadd.s32 v22, v24;
	_ =	sdelay $0x3  }
0x13b: {  	[tilespmem:$0x105D0] =	vst v25  }
0x13c: {  	v25 =	vld.idx.msk [tilespmem:v35+s9+$0x0], $0xffff  }
0x13d: {  	v24 =	vadd.s32 v23, v24;
	_ =	sdelay $0x3  }
0x13e: {  	[tilespmem:$0x105E0] =	vst v25  }
0x13f: {  	v24 =	vld.idx.msk [tilespmem:v24+s9+$0x0], $0xffff;
	_ =	sdelay $0x4  }
0x140: {  	[tilespmem:$0x105F0] =	vst v24  }
0x141: {  	v24 =	vld.idx.msk [tilespmem:v11+s2+$0x0], $0xffff;
	_ =	sdelay $0x4  }
0x142: {  	v24 =	vshll.u32 v24, $0x8  }
0x143: {  	v36 =	vadd.s32 v16, v24;
	_ =	sdelay $0x4  }
0x144: {  	v25 =	vld.idx.msk [tilespmem:v36+s9+$0x0], $0xffff  }
0x145: {  	v37 =	vadd.s32 v17, v24;
	_ =	sdelay $0x3  }
0x146: {  	[tilespmem:$0x10600] =	vst v25  }
0x147: {  	v25 =	vld.idx.msk [tilespmem:v37+s9+$0x0], $0xffff  }
0x148: {  	v38 =	vadd.s32 v18, v24;
	_ =	sdelay $0x3  }
0x149: {  	[tilespmem:$0x10610] =	vst v25  }
0x14a: {  	v25 =	vld.idx.msk [tilespmem:v38+s9+$0x0], $0xffff  }
0x14b: {  	v39 =	vadd.s32 v19, v24;
	_ =	sdelay $0x3  }
0x14c: {  	[tilespmem:$0x10620] =	vst v25  }
0x14d: {  	v25 =	vld.idx.msk [tilespmem:v39+s9+$0x0], $0xffff  }
0x14e: {  	v40 =	vadd.s32 v20, v24;
	_ =	sdelay $0x3  }
0x14f: {  	[tilespmem:$0x10630] =	vst v25  }
0x150: {  	v25 =	vld.idx.msk [tilespmem:v40+s9+$0x0], $0xffff  }
0x151: {  	v41 =	vadd.s32 v21, v24;
	_ =	sdelay $0x3  }
0x152: {  	[tilespmem:$0x10640] =	vst v25  }
0x153: {  	v25 =	vld.idx.msk [tilespmem:v41+s9+$0x0], $0xffff  }
0x154: {  	v42 =	vadd.s32 v22, v24;
	_ =	sdelay $0x3  }
0x155: {  	[tilespmem:$0x10650] =	vst v25  }
0x156: {  	v25 =	vld.idx.msk [tilespmem:v42+s9+$0x0], $0xffff  }
0x157: {  	v24 =	vadd.s32 v23, v24;
	_ =	sdelay $0x3  }
0x158: {  	[tilespmem:$0x10660] =	vst v25  }
0x159: {  	v24 =	vld.idx.msk [tilespmem:v24+s9+$0x0], $0xffff;
	_ =	sdelay $0x4  }
0x15a: {  	[tilespmem:$0x10670] =	vst v24  }
0x15b: {  	v24 =	vld.idx.msk [tilespmem:v12+s2+$0x0], $0xffff;
	_ =	sdelay $0x4  }
0x15c: {  	v24 =	vshll.u32 v24, $0x8  }
0x15d: {  	v43 =	vadd.s32 v16, v24;
	_ =	sdelay $0x4  }
0x15e: {  	v25 =	vld.idx.msk [tilespmem:v43+s9+$0x0], $0xffff  }
0x15f: {  	v44 =	vadd.s32 v17, v24;
	_ =	sdelay $0x3  }
0x160: {  	[tilespmem:$0x10680] =	vst v25  }
0x161: {  	v25 =	vld.idx.msk [tilespmem:v44+s9+$0x0], $0xffff  }
0x162: {  	v45 =	vadd.s32 v18, v24;
	_ =	sdelay $0x3  }
0x163: {  	[tilespmem:$0x10690] =	vst v25  }
0x164: {  	v25 =	vld.idx.msk [tilespmem:v45+s9+$0x0], $0xffff  }
0x165: {  	v46 =	vadd.s32 v19, v24;
	_ =	sdelay $0x3  }
0x166: {  	[tilespmem:$0x106A0] =	vst v25  }
0x167: {  	v25 =	vld.idx.msk [tilespmem:v46+s9+$0x0], $0xffff  }
0x168: {  	v47 =	vadd.s32 v20, v24;
	_ =	sdelay $0x3  }
0x169: {  	[tilespmem:$0x106B0] =	vst v25  }
0x16a: {  	v25 =	vld.idx.msk [tilespmem:v47+s9+$0x0], $0xffff  }
0x16b: {  	v48 =	vadd.s32 v21, v24;
	_ =	sdelay $0x3  }
0x16c: {  	[tilespmem:$0x106C0] =	vst v25  }
0x16d: {  	v25 =	vld.idx.msk [tilespmem:v48+s9+$0x0], $0xffff  }
0x16e: {  	v49 =	vadd.s32 v22, v24;
	_ =	sdelay $0x3  }
0x16f: {  	[tilespmem:$0x106D0] =	vst v25  }
0x170: {  	v25 =	vld.idx.msk [tilespmem:v49+s9+$0x0], $0xffff  }
0x171: {  	v24 =	vadd.s32 v23, v24;
	_ =	sdelay $0x3  }
0x172: {  	[tilespmem:$0x106E0] =	vst v25  }
0x173: {  	v24 =	vld.idx.msk [tilespmem:v24+s9+$0x0], $0xffff;
	_ =	sdelay $0x4  }
0x174: {  	[tilespmem:$0x106F0] =	vst v24  }
0x175: {  	v24 =	vld.idx.msk [tilespmem:v13+s2+$0x0], $0xffff;
	_ =	sdelay $0x4  }
0x176: {  	v24 =	vshll.u32 v24, $0x8  }
0x177: {  	v50 =	vadd.s32 v16, v24;
	_ =	sdelay $0x4  }
0x178: {  	v25 =	vld.idx.msk [tilespmem:v50+s9+$0x0], $0xffff  }
0x179: {  	v51 =	vadd.s32 v17, v24;
	_ =	sdelay $0x3  }
0x17a: {  	[tilespmem:$0x10700] =	vst v25  }
0x17b: {  	v25 =	vld.idx.msk [tilespmem:v51+s9+$0x0], $0xffff  }
0x17c: {  	v52 =	vadd.s32 v18, v24;
	_ =	sdelay $0x3  }
0x17d: {  	[tilespmem:$0x10710] =	vst v25  }
0x17e: {  	v25 =	vld.idx.msk [tilespmem:v52+s9+$0x0], $0xffff  }
0x17f: {  	v53 =	vadd.s32 v19, v24;
	_ =	sdelay $0x3  }
0x180: {  	[tilespmem:$0x10720] =	vst v25  }
0x181: {  	v25 =	vld.idx.msk [tilespmem:v53+s9+$0x0], $0xffff  }
0x182: {  	v54 =	vadd.s32 v20, v24;
	_ =	sdelay $0x3  }
0x183: {  	[tilespmem:$0x10730] =	vst v25  }
0x184: {  	v25 =	vld.idx.msk [tilespmem:v54+s9+$0x0], $0xffff  }
0x185: {  	v55 =	vadd.s32 v21, v24;
	_ =	sdelay $0x3  }
0x186: {  	[tilespmem:$0x10740] =	vst v25  }
0x187: {  	v25 =	vld.idx.msk [tilespmem:v55+s9+$0x0], $0xffff  }
0x188: {  	v56 =	vadd.s32 v22, v24;
	_ =	sdelay $0x3  }
0x189: {  	[tilespmem:$0x10750] =	vst v25  }
0x18a: {  	v25 =	vld.idx.msk [tilespmem:v56+s9+$0x0], $0xffff  }
0x18b: {  	v24 =	vadd.s32 v23, v24;
	_ =	sdelay $0x3  }
0x18c: {  	[tilespmem:$0x10760] =	vst v25  }
0x18d: {  	v24 =	vld.idx.msk [tilespmem:v24+s9+$0x0], $0xffff;
	_ =	sdelay $0x4  }
0x18e: {  	[tilespmem:$0x10770] =	vst v24  }
0x18f: {  	v24 =	vld.idx.msk [tilespmem:v14+s2+$0x0], $0xffff;
	_ =	sdelay $0x4  }
0x190: {  	v24 =	vshll.u32 v24, $0x8  }
0x191: {  	v57 =	vadd.s32 v16, v24;
	_ =	sdelay $0x4  }
0x192: {  	v25 =	vld.idx.msk [tilespmem:v57+s9+$0x0], $0xffff  }
0x193: {  	v58 =	vadd.s32 v17, v24;
	_ =	sdelay $0x3  }
0x194: {  	[tilespmem:$0x10780] =	vst v25  }
0x195: {  	v25 =	vld.idx.msk [tilespmem:v58+s9+$0x0], $0xffff  }
0x196: {  	v59 =	vadd.s32 v18, v24;
	_ =	sdelay $0x3  }
0x197: {  	[tilespmem:$0x10790] =	vst v25  }
0x198: {  	v25 =	vld.idx.msk [tilespmem:v59+s9+$0x0], $0xffff  }
0x199: {  	v60 =	vadd.s32 v19, v24;
	_ =	sdelay $0x3  }
0x19a: {  	[tilespmem:$0x107A0] =	vst v25  }
0x19b: {  	v25 =	vld.idx.msk [tilespmem:v60+s9+$0x0], $0xffff  }
0x19c: {  	v61 =	vadd.s32 v20, v24;
	_ =	sdelay $0x3  }
0x19d: {  	[tilespmem:$0x107B0] =	vst v25  }
0x19e: {  	v25 =	vld.idx.msk [tilespmem:v61+s9+$0x0], $0xffff  }
0x19f: {  	v62 =	vadd.s32 v21, v24;
	_ =	sdelay $0x3  }
0x1a0: {  	[tilespmem:$0x107C0] =	vst v25  }
0x1a1: {  	v25 =	vld.idx.msk [tilespmem:v62+s9+$0x0], $0xffff  }
0x1a2: {  	v63 =	vadd.s32 v22, v24;
	_ =	sdelay $0x3  }
0x1a3: {  	[tilespmem:$0x107D0] =	vst v25  }
0x1a4: {  	v25 =	vld.idx.msk [tilespmem:v63+s9+$0x0], $0xffff  }
0x1a5: {  	v24 =	vadd.s32 v23, v24;
	_ =	sdelay $0x3  }
0x1a6: {  	[tilespmem:$0x107E0] =	vst v25  }
0x1a7: {  	v24 =	vld.idx.msk [tilespmem:v24+s9+$0x0], $0xffff;
	_ =	sdelay $0x4  }
0x1a8: {  	[tilespmem:$0x107F0] =	vst v24  }
0x1a9: {  	v24 =	vld.idx.msk [tilespmem:v15+s2+$0x0], $0xffff;
	_ =	sdelay $0x4  }
0x1aa: {  	v24 =	vshll.u32 v24, $0x8  }
0x1ab: {  	v16 =	vadd.s32 v16, v24;
	_ =	sdelay $0x4  }
0x1ac: {  	v16 =	vld.idx.msk [tilespmem:v16+s9+$0x0], $0xffff  }
0x1ad: {  	v17 =	vadd.s32 v17, v24;
	_ =	sdelay $0x3  }
0x1ae: {  	[tilespmem:$0x10800] =	vst v16  }
0x1af: {  	v16 =	vld.idx.msk [tilespmem:v17+s9+$0x0], $0xffff  }
0x1b0: {  	v17 =	vadd.s32 v18, v24;
	_ =	sdelay $0x3  }
0x1b1: {  	[tilespmem:$0x10810] =	vst v16  }
0x1b2: {  	v16 =	vld.idx.msk [tilespmem:v17+s9+$0x0], $0xffff  }
0x1b3: {  	v17 =	vadd.s32 v19, v24;
	_ =	sdelay $0x3  }
0x1b4: {  	[tilespmem:$0x10820] =	vst v16  }
0x1b5: {  	v16 =	vld.idx.msk [tilespmem:v17+s9+$0x0], $0xffff  }
0x1b6: {  	v17 =	vadd.s32 v20, v24;
	_ =	sdelay $0x3  }
0x1b7: {  	[tilespmem:$0x10830] =	vst v16  }
0x1b8: {  	v16 =	vld.idx.msk [tilespmem:v17+s9+$0x0], $0xffff  }
0x1b9: {  	v17 =	vadd.s32 v21, v24;
	_ =	sdelay $0x3  }
0x1ba: {  	[tilespmem:$0x10840] =	vst v16  }
0x1bb: {  	v16 =	vld.idx.msk [tilespmem:v17+s9+$0x0], $0xffff  }
0x1bc: {  	v17 =	vadd.s32 v22, v24;
	_ =	sdelay $0x3  }
0x1bd: {  	[tilespmem:$0x10850] =	vst v16  }
0x1be: {  	v16 =	vld.idx.msk [tilespmem:v17+s9+$0x0], $0xffff  }
0x1bf: {  	v17 =	vadd.s32 v23, v24;
	_ =	sdelay $0x3  }
0x1c0: {  	[tilespmem:$0x10860] =	vst v16  }
0x1c1: {  	v16 =	vld.idx.msk [tilespmem:v17+s9+$0x0], $0xffff;
	_ =	sdelay $0x3  }
0x1c2: {  	p0 =	sne.s32 s6, $0x1  }
.Ltmp0:
0x1c3: {  	[tilespmem:$0x10870] =	vst v16;
	(pc) =	sbr.rel @p0 .LBB2_1-.Ltmp0, $4  }
0x1c4: {  	[hbm4b:s5+s2] =	stream.linear.scatter [tilespmem:s10], [sflag:$0x1], $0x800, $0x38;
	[tilespmem:$0x10880] =	vst v63  }
0x1c5: {  	_ =	swait.ge [sflag:s7], $0x800  }
0x1c6: {  	[sflag:s7] =	ssyncset.done $0x0  }
0x1c7: {  	s6 =	sadd.s32 $0xFFFFFFFF, s6;
	[sflag:s7] =	ssyncadd.s32 $0xFFFFF800  }
0x1c8: {  	_ =	sfence.sel $0x180000  }
0x1c9: {  	[bflag:$0x0] =	sbarrier.arrive $0xFFFF  }
0x1ca: {  	p0 =	sne.s32 s1, $0x0;
	_ =	strace $0x90000047  }
0x1cb: {  	s0 =	sadd.s32 @!p0 $0x100000, s0;
	[bflag:$0x2] =	sbarrier.arrive $0xFFFF  }
0x1cc: {  	[sflag:s0] =	ssyncadd.tile.s32 @!p0 $0x1;
	_ =	shalt  }
.Lfunc_end2:
_tile_overlayer_lowered:
.L_overlay_start_2:
0x1cd: {  	(tag) =	ssettag $0x2  }
0x1ce: {  	s0 =	rddreg [dreg:$0x0];
	s2 =	stileid.u32  }
0x1cf: {  	s1 =	rddreg [dreg:$0x1];
	p0 =	sne.s32 s2, $0x0  }
0x1d0: {  	s3 =	rddreg [dreg:$0x2];
	[bflag:$0x3] =	sbarrier.arrive $0xFFFF;
	s2 =	simm.s32 @!p0 $0x1C01  }
0x1d1: {  	[timem:s3], [sflag:s2] =	dma.local @!p0 [hbm:s0], s1  }
0x1d2: {  	s0 =	simm.s32 @!p0 $0x1  }
0x1d3: {  	_ =	swait.ge @!p0 [sflag:s0], s1  }
0x1d4: {  	s1 =	ssub.s32 @!p0 $0x0, s1;
	[sflag:s0] =	ssyncset.done @!p0 $0x0  }
0x1d5: {  	[sflag:s0] =	ssyncadd.s32 @!p0 s1  }
0x1d6: {  	[bflag:$0x3] =	sbarrier.arrive $0xFFFF  }
0x1d7: {  	_ =	shalt  }

</sc_bundles>
